<compile_context>
chip_gen: v7x
topology: tpu7x:2x2x1
jax: 0.10.2.dev20260603
libtpu: 0.0.44.dev20260713+nightly
codegen_flags: <defaults>
</compile_context>

<pallas_src>
import functools

import jax
import jax.numpy as jnp
from jax import lax
from jax.experimental import pallas as pl
from jax.experimental.pallas import tpu as pltpu
from jax.experimental.pallas import tpu_sc as plsc

N_ROWS = 1_000_000
N_ATTRS = 4
N_TABLE = 1024
CHUNK = 3_584
N_MAIN = 999_936
N_CHUNKS = N_MAIN // CHUNK
TAIL = N_ROWS - N_MAIN
LANES = 16
NUM_CORES = 2
NUM_SUBCORES = 16
NW = NUM_CORES * NUM_SUBCORES


def _sc_gather_add(hp_t, ids_t, delta):
    mesh = plsc.VectorSubcoreMesh(core_axis_name="c", subcore_axis_name="s")

    @functools.partial(
        pl.kernel,
        out_type=jax.ShapeDtypeStruct((N_ATTRS, N_ROWS), jnp.float32),
        mesh=mesh,
        compiler_params=pltpu.CompilerParams(needs_layout_passes=False),
        scratch_types=[
            pltpu.VMEM((N_TABLE,), jnp.float32),
            pltpu.VMEM((N_ATTRS, CHUNK), jnp.int32),
            pltpu.VMEM((N_ATTRS, CHUNK), jnp.float32),
            pltpu.VMEM((N_ATTRS, CHUNK), jnp.int32),
            pltpu.VMEM((N_ATTRS, CHUNK), jnp.float32),
            pltpu.VMEM((N_ATTRS, CHUNK), jnp.float32),
            pltpu.VMEM((N_ATTRS, CHUNK), jnp.float32),
            pltpu.VMEM((N_ATTRS, TAIL), jnp.int32),
            pltpu.VMEM((N_ATTRS, TAIL), jnp.float32),
            pltpu.SemaphoreType.DMA,
            pltpu.SemaphoreType.DMA,
            pltpu.SemaphoreType.DMA,
            pltpu.SemaphoreType.DMA,
            pltpu.SemaphoreType.DMA,
        ],
    )
    def k(hp_hbm, ids_hbm, delta_hbm, out_hbm, delta_v,
          ids_v0, hp_v0, ids_v1, hp_v1, out_v0, out_v1,
          ids_tail_v, hp_tail_v,
          in_sem0, in_sem1, out_sem0, out_sem1, delta_sem):
        wid = lax.axis_index("s") * NUM_CORES + lax.axis_index("c")
        pltpu.make_async_copy(delta_hbm, delta_v, delta_sem).start()
        n_w = (N_CHUNKS - wid + NW - 1) // NW
        bufs = (
            (ids_v0, hp_v0, out_v0, in_sem0, out_sem0),
            (ids_v1, hp_v1, out_v1, in_sem1, out_sem1),
        )

        def c0_of(i):
            return (wid + i * NW) * CHUNK

        def start_in(i, ids_v, hp_v, in_sem):
            c0 = c0_of(i)
            pltpu.make_async_copy(
                ids_hbm.at[:, pl.ds(c0, CHUNK)], ids_v, in_sem
            ).start()
            pltpu.make_async_copy(
                hp_hbm.at[:, pl.ds(c0, CHUNK)], hp_v, in_sem
            ).start()

        def wait_in(ids_v, hp_v, in_sem):
            pltpu.make_async_copy(
                ids_hbm.at[:, pl.ds(0, CHUNK)], ids_v, in_sem
            ).wait()
            pltpu.make_async_copy(
                hp_hbm.at[:, pl.ds(0, CHUNK)], hp_v, in_sem
            ).wait()

        def compute(ids_v, hp_v, out_v):
            @plsc.parallel_loop(0, CHUNK, step=LANES, unroll=8)
            def _body(off):
                for j in range(N_ATTRS):
                    idx = ids_v[j, pl.ds(off, LANES)]
                    g = plsc.load_gather(delta_v, [idx])
                    out_v[j, pl.ds(off, LANES)] = hp_v[j, pl.ds(off, LANES)] + g

        def start_out(i, out_v, out_sem):
            pltpu.make_async_copy(
                out_v, out_hbm.at[:, pl.ds(c0_of(i), CHUNK)], out_sem
            ).start()

        def wait_out(out_v, out_sem):
            pltpu.make_async_copy(
                out_v, out_hbm.at[:, pl.ds(0, CHUNK)], out_sem
            ).wait()

        start_in(0, ids_v0, hp_v0, in_sem0)
        start_in(1, ids_v1, hp_v1, in_sem1)
        pltpu.make_async_copy(delta_hbm, delta_v, delta_sem).wait()

        def chunk_body(i, carry):
            for b in range(2):
                @pl.when(lax.rem(i, 2) == b)
                def _step():
                    ids_v, hp_v, out_v, in_sem, out_sem = bufs[b]
                    wait_in(ids_v, hp_v, in_sem)

                    @pl.when(i >= 2)
                    def _():
                        wait_out(out_v, out_sem)

                    compute(ids_v, hp_v, out_v)
                    start_out(i, out_v, out_sem)

                    @pl.when(i + 2 < n_w)
                    def _():
                        start_in(i + 2, ids_v, hp_v, in_sem)

            return carry

        lax.fori_loop(0, n_w, chunk_body, 0)
        for b in range(2):
            wait_out(bufs[b][2], bufs[b][4])

        @pl.when(wid == NW - 1)
        def _tail():
            pltpu.sync_copy(ids_hbm.at[:, pl.ds(N_MAIN, TAIL)], ids_tail_v)
            pltpu.sync_copy(hp_hbm.at[:, pl.ds(N_MAIN, TAIL)], hp_tail_v)
            for j in range(N_ATTRS):
                for v in range(TAIL // LANES):
                    off = v * LANES
                    idx = ids_tail_v[j, pl.ds(off, LANES)]
                    g = plsc.load_gather(delta_v, [idx])
                    hp_tail_v[j, pl.ds(off, LANES)] = (
                        hp_tail_v[j, pl.ds(off, LANES)] + g
                    )
            pltpu.sync_copy(hp_tail_v, out_hbm.at[:, pl.ds(N_MAIN, TAIL)])

    return k(hp_t, ids_t, delta)


def kernel(handler_parameters, parameter_ids_map, parameter_delta):
    out_t = _sc_gather_add(
        handler_parameters.T, parameter_ids_map.T, parameter_delta
    )
    return out_t.T

# --- scband reference (transcript-rebuilt; emitter-appended) ---
"""Pipeline reference for scband-smirnoffmodel-62431644615180 (READ-ONLY COPY).

The authoritative reference and input builder live on the scoring server;
editing this copy changes nothing except your own understanding.
"""

import jax, jax.numpy as jnp
import numpy as np

N_ROWS = 1000000   # number of vectorized parameter rows in the applied system
N_COLS = 4         # attributes per parameter row (e.g. k, length, epsilon, sigma)
N_DELTAS = 1024    # number of perturbable (handler, smirks, attribute) ids


def setup_inputs(seed: int = 0) -> dict:
    key = jax.random.key(seed)
    k1, k2, k3 = jax.random.split(key, 3)
    handler_parameters = jax.random.normal(k1, (N_ROWS, N_COLS), dtype=jnp.float32)
    # For each (row, attribute) entry, the id of the parameter delta that applies
    # to it (flattened mapping produced by matching PotentialKey/attribute ids).
    parameter_ids_map = jax.random.randint(k2, (N_ROWS, N_COLS), 0, N_DELTAS, dtype=jnp.int32)
    # The learned perturbation vector (self.parameter_delta); covariance_tensor is None
    # so it is used directly.
    parameter_delta = jax.random.normal(k3, (N_DELTAS,), dtype=jnp.float32)
    return {
        "handler_parameters": handler_parameters,
        "parameter_ids_map": parameter_ids_map,
        "parameter_delta": parameter_delta,
    }


def reference(handler_parameters, parameter_ids_map, parameter_delta):
    # covariance_tensor is None -> delta used directly
    # add_parameter_delta: gather the delta assigned to each (row, attribute)
    # entry of the vectorized handler and add it to the applied parameters.
    handler_delta = parameter_delta
    gathered = jnp.take(handler_delta, parameter_ids_map, axis=0)
    perturbed_parameters = handler_parameters + gathered
    return perturbed_parameters

if __name__ == "__main__":
    import jax
    _d = setup_inputs()
    print(jax.jit(kernel)(*tuple(_d.values())))

</pallas_src>

<mosaic_0001>
#map = affine_map<(d0, d1) -> (0, 0)>
#map1 = affine_map<(d0, d1) -> (0)>
module attributes {stable_mosaic.version = 14 : i64} {
  func.func @k(%arg0: i32, %arg1: i32, %arg2: memref<4x1000000xf32, #tpu.memory_space<hbm>>, %arg3: memref<4x1000000xi32, #tpu.memory_space<hbm>>, %arg4: memref<1024xf32, #tpu.memory_space<hbm>>, %arg5: memref<4x1000000xf32, #tpu.memory_space<hbm>>, %arg6: memref<1024xf32, #tpu.memory_space<vmem>>, %arg7: memref<4x3584xi32, #tpu.memory_space<vmem>>, %arg8: memref<4x3584xf32, #tpu.memory_space<vmem>>, %arg9: memref<4x3584xi32, #tpu.memory_space<vmem>>, %arg10: memref<4x3584xf32, #tpu.memory_space<vmem>>, %arg11: memref<4x3584xf32, #tpu.memory_space<vmem>>, %arg12: memref<4x3584xf32, #tpu.memory_space<vmem>>, %arg13: memref<4x64xi32, #tpu.memory_space<vmem>>, %arg14: memref<4x64xf32, #tpu.memory_space<vmem>>, %arg15: memref<!tpu.dma_semaphore, #tpu.memory_space<semaphore_mem>>, %arg16: memref<!tpu.dma_semaphore, #tpu.memory_space<semaphore_mem>>, %arg17: memref<!tpu.dma_semaphore, #tpu.memory_space<semaphore_mem>>, %arg18: memref<!tpu.dma_semaphore, #tpu.memory_space<semaphore_mem>>, %arg19: memref<!tpu.dma_semaphore, #tpu.memory_space<semaphore_mem>>) attributes {dimension_semantics = [#tpu.dimension_semantics<core_parallel>, #tpu.dimension_semantics<subcore_parallel>], iteration_bounds = array<i64: 2, 16>, scalar_prefetch = 0 : i64, scratch_operands = 14 : i64, tpu.core_type = #tpu.core_type<sc_vector_subcore>, window_params = [{transform_indices = #map}, {transform_indices = #map}, {transform_indices = #map1}, {transform_indices = #map}]} {
    %mul3A = arith.constant 2 : i32
    %mul3A_0 = arith.muli %arg1, %mul3A : i32
    %add3A = arith.addi %mul3A_0, %arg0 : i32
    tpu.enqueue_dma source(%arg4 : memref<1024xf32, #tpu.memory_space<hbm>>) target(%arg6 : memref<1024xf32, #tpu.memory_space<vmem>>) target_semaphore(%arg19 : memref<!tpu.dma_semaphore, #tpu.memory_space<semaphore_mem>>)
    %sub3A = arith.constant 279 : i32
    %sub3A_1 = arith.subi %sub3A, %add3A : i32
    %add3A_2 = arith.constant 32 : i32
    %add3A_3 = arith.addi %sub3A_1, %add3A_2 : i32
    %sub3A_4 = arith.constant 1 : i32
    %sub3A_5 = arith.subi %add3A_3, %sub3A_4 : i32
    %jit3A = arith.constant 32 : i32
    %div3A = arith.divsi %sub3A_5, %jit3A : i32
    %sign3A = arith.constant 0 : i32
    %sign3A_6 = arith.cmpi sgt, %sub3A_5, %sign3A : i32
    %sign3A_7 = arith.extui %sign3A_6 : i1 to i32
    %sign3A_8 = arith.constant 0 : i32
    %sign3A_9 = arith.cmpi slt, %sub3A_5, %sign3A_8 : i32
    %sign3A_10 = arith.extui %sign3A_9 : i1 to i32
    %sign3A_11 = arith.subi %sign3A_7, %sign3A_10 : i32
    %sign3A_12 = arith.constant 0 : i32
    %sign3A_13 = arith.cmpi sgt, %jit3A, %sign3A_12 : i32
    %sign3A_14 = arith.extui %sign3A_13 : i1 to i32
    %sign3A_15 = arith.constant 0 : i32
    %sign3A_16 = arith.cmpi slt, %jit3A, %sign3A_15 : i32
    %sign3A_17 = arith.extui %sign3A_16 : i1 to i32
    %sign3A_18 = arith.subi %sign3A_14, %sign3A_17 : i32
    %ne3A = arith.cmpi ne, %sign3A_11, %sign3A_18 : i32
    %rem3A = arith.remsi %sub3A_5, %jit3A : i32
    %ne3A_19 = arith.constant 0 : i32
    %ne3A_20 = arith.cmpi ne, %rem3A, %ne3A_19 : i32
    %and3A = arith.andi %ne3A, %ne3A_20 : i1
    %sub3A_21 = arith.constant 1 : i32
    %sub3A_22 = arith.subi %div3A, %sub3A_21 : i32
    %select_n3A = arith.select %and3A, %sub3A_22, %div3A : i32
    %add3A_23 = arith.constant 0 : i32
    %add3A_24 = arith.addi %add3A, %add3A_23 : i32
    %mul3A_25 = arith.constant 3584 : i32
    %mul3A_26 = arith.muli %add3A_24, %mul3A_25 : i32
    %dma_start3A = arith.constant 0 : i32
    %dma_start3A_27 = tpu.memref_slice %arg3[%dma_start3A, %mul3A_26] : memref<4x1000000xi32, #tpu.memory_space<hbm>> -> memref<4x3584xi32, #tpu.memory_space<hbm>>
    %dma_start3A_28 = arith.constant 0 : i32
    %dma_start3A_29 = tpu.memref_slice %arg3[%dma_start3A_28, %mul3A_26] : memref<4x1000000xi32, #tpu.memory_space<hbm>> -> memref<4x3584xi32, #tpu.memory_space<hbm>>
    tpu.enqueue_dma source(%dma_start3A_29 : memref<4x3584xi32, #tpu.memory_space<hbm>>) target(%arg7 : memref<4x3584xi32, #tpu.memory_space<vmem>>) target_semaphore(%arg15 : memref<!tpu.dma_semaphore, #tpu.memory_space<semaphore_mem>>)
    %dma_start3A_30 = arith.constant 0 : i32
    %dma_start3A_31 = tpu.memref_slice %arg2[%dma_start3A_30, %mul3A_26] : memref<4x1000000xf32, #tpu.memory_space<hbm>> -> memref<4x3584xf32, #tpu.memory_space<hbm>>
    %dma_start3A_32 = arith.constant 0 : i32
    %dma_start3A_33 = tpu.memref_slice %arg2[%dma_start3A_32, %mul3A_26] : memref<4x1000000xf32, #tpu.memory_space<hbm>> -> memref<4x3584xf32, #tpu.memory_space<hbm>>
    tpu.enqueue_dma source(%dma_start3A_33 : memref<4x3584xf32, #tpu.memory_space<hbm>>) target(%arg8 : memref<4x3584xf32, #tpu.memory_space<vmem>>) target_semaphore(%arg15 : memref<!tpu.dma_semaphore, #tpu.memory_space<semaphore_mem>>)
    %add3A_34 = arith.constant 32 : i32
    %add3A_35 = arith.addi %add3A, %add3A_34 : i32
    %mul3A_36 = arith.constant 3584 : i32
    %mul3A_37 = arith.muli %add3A_35, %mul3A_36 : i32
    %dma_start3A_38 = arith.constant 0 : i32
    %dma_start3A_39 = tpu.memref_slice %arg3[%dma_start3A_38, %mul3A_37] : memref<4x1000000xi32, #tpu.memory_space<hbm>> -> memref<4x3584xi32, #tpu.memory_space<hbm>>
    %dma_start3A_40 = arith.constant 0 : i32
    %dma_start3A_41 = tpu.memref_slice %arg3[%dma_start3A_40, %mul3A_37] : memref<4x1000000xi32, #tpu.memory_space<hbm>> -> memref<4x3584xi32, #tpu.memory_space<hbm>>
    tpu.enqueue_dma source(%dma_start3A_41 : memref<4x3584xi32, #tpu.memory_space<hbm>>) target(%arg9 : memref<4x3584xi32, #tpu.memory_space<vmem>>) target_semaphore(%arg16 : memref<!tpu.dma_semaphore, #tpu.memory_space<semaphore_mem>>)
    %dma_start3A_42 = arith.constant 0 : i32
    %dma_start3A_43 = tpu.memref_slice %arg2[%dma_start3A_42, %mul3A_37] : memref<4x1000000xf32, #tpu.memory_space<hbm>> -> memref<4x3584xf32, #tpu.memory_space<hbm>>
    %dma_start3A_44 = arith.constant 0 : i32
    %dma_start3A_45 = tpu.memref_slice %arg2[%dma_start3A_44, %mul3A_37] : memref<4x1000000xf32, #tpu.memory_space<hbm>> -> memref<4x3584xf32, #tpu.memory_space<hbm>>
    tpu.enqueue_dma source(%dma_start3A_45 : memref<4x3584xf32, #tpu.memory_space<hbm>>) target(%arg10 : memref<4x3584xf32, #tpu.memory_space<vmem>>) target_semaphore(%arg16 : memref<!tpu.dma_semaphore, #tpu.memory_space<semaphore_mem>>)
    tpu.wait_dma2 semaphore(%arg19 : memref<!tpu.dma_semaphore, #tpu.memory_space<semaphore_mem>>) src(%arg4 : memref<1024xf32, #tpu.memory_space<hbm>>) dst(%arg6 : memref<1024xf32, #tpu.memory_space<vmem>>)
    %while3A = arith.constant 0 : i32
    %while3A_46 = arith.constant 0 : i32
    %while3A_47 = arith.subi %select_n3A, %while3A_46 : i32
    %while3A_48 = arith.addi %while3A_46, %while3A_47 : i32
    %while3A_49 = arith.constant 1 : i32
    %while3A_50 = arith.divsi %while3A_47, %while3A_49 : i32
    %while3A_51 = arith.muli %while3A_50, %while3A_49 : i32
    %while3A_52 = arith.addi %while3A_46, %while3A_51 : i32
    %while3A_53 = arith.constant 1 : i32
    scf.for %while3A_68 = %while3A_46 to %while3A_52 step %while3A_53  : i32 {
      %rem3A_69 = arith.constant 2 : i32
      %rem3A_70 = arith.remsi %while3A_68, %rem3A_69 : i32
      %eq3A_71 = arith.constant 0 : i32
      %eq3A_72 = arith.cmpi eq, %rem3A_70, %eq3A_71 : i32
      %convert_element_type3A_73 = arith.extui %eq3A_72 : i1 to i32
      %cond3A_74 = arith.constant 0 : i32
      %cond3A_75 = arith.cmpi ne, %convert_element_type3A_73, %cond3A_74 : i32
      scf.if %cond3A_75 {
        %dma_wait3A_83 = arith.constant 0 : i32
        %dma_wait3A_84 = arith.constant 0 : i32
        %dma_wait3A_85 = tpu.memref_slice %arg3[%dma_wait3A_83, %dma_wait3A_84] : memref<4x1000000xi32, #tpu.memory_space<hbm>> -> memref<4x3584xi32, #tpu.memory_space<hbm>>
        %dma_wait3A_86 = arith.constant 0 : i32
        %dma_wait3A_87 = arith.constant 0 : i32
        %dma_wait3A_88 = tpu.memref_slice %arg3[%dma_wait3A_86, %dma_wait3A_87] : memref<4x1000000xi32, #tpu.memory_space<hbm>> -> memref<4x3584xi32, #tpu.memory_space<hbm>>
        tpu.wait_dma2 semaphore(%arg15 : memref<!tpu.dma_semaphore, #tpu.memory_space<semaphore_mem>>) src(%dma_wait3A_88 : memref<4x3584xi32, #tpu.memory_space<hbm>>) dst(%arg7 : memref<4x3584xi32, #tpu.memory_space<vmem>>)
        %dma_wait3A_89 = arith.constant 0 : i32
        %dma_wait3A_90 = arith.constant 0 : i32
        %dma_wait3A_91 = tpu.memref_slice %arg2[%dma_wait3A_89, %dma_wait3A_90] : memref<4x1000000xf32, #tpu.memory_space<hbm>> -> memref<4x3584xf32, #tpu.memory_space<hbm>>
        %dma_wait3A_92 = arith.constant 0 : i32
        %dma_wait3A_93 = arith.constant 0 : i32
        %dma_wait3A_94 = tpu.memref_slice %arg2[%dma_wait3A_92, %dma_wait3A_93] : memref<4x1000000xf32, #tpu.memory_space<hbm>> -> memref<4x3584xf32, #tpu.memory_space<hbm>>
        tpu.wait_dma2 semaphore(%arg15 : memref<!tpu.dma_semaphore, #tpu.memory_space<semaphore_mem>>) src(%dma_wait3A_94 : memref<4x3584xf32, #tpu.memory_space<hbm>>) dst(%arg8 : memref<4x3584xf32, #tpu.memory_space<vmem>>)
        %ge3A = arith.constant 2 : i32
        %ge3A_95 = arith.cmpi sge, %while3A_68, %ge3A : i32
        %convert_element_type3A_96 = arith.extui %ge3A_95 : i1 to i32
        %cond3A_97 = arith.constant 0 : i32
        %cond3A_98 = arith.cmpi ne, %convert_element_type3A_96, %cond3A_97 : i32
        scf.if %cond3A_98 {
          %dma_wait3A_115 = arith.constant 0 : i32
          %dma_wait3A_116 = arith.constant 0 : i32
          %dma_wait3A_117 = tpu.memref_slice %arg5[%dma_wait3A_115, %dma_wait3A_116] : memref<4x1000000xf32, #tpu.memory_space<hbm>> -> memref<4x3584xf32, #tpu.memory_space<hbm>>
          %dma_wait3A_118 = arith.constant 0 : i32
          %dma_wait3A_119 = arith.constant 0 : i32
          %dma_wait3A_120 = tpu.memref_slice %arg5[%dma_wait3A_118, %dma_wait3A_119] : memref<4x1000000xf32, #tpu.memory_space<hbm>> -> memref<4x3584xf32, #tpu.memory_space<hbm>>
          tpu.wait_dma2 semaphore(%arg17 : memref<!tpu.dma_semaphore, #tpu.memory_space<semaphore_mem>>) src(%arg11 : memref<4x3584xf32, #tpu.memory_space<vmem>>) dst(%dma_wait3A_120 : memref<4x3584xf32, #tpu.memory_space<hbm>>)
        } else {
        }
        %parallel_loop3A = arith.constant 0 : i32
        %parallel_loop3A_99 = arith.constant 3584 : i32
        %parallel_loop3A_100 = arith.constant 16 : i32
        scf.for %parallel_loop3A_115 = %parallel_loop3A to %parallel_loop3A_99 step %parallel_loop3A_100  : i32 {
          %parallel_loop3A_116 = arith.constant 0 : i32
          %parallel_loop3A_117 = arith.index_cast %parallel_loop3A_116 : i32 to index
          %parallel_loop3A_118 = arith.index_cast %parallel_loop3A_115 : i32 to index
          %parallel_loop3A_119 = tpu.vector_load %arg7[%parallel_loop3A_117, %parallel_loop3A_118] {strides = array<i32>} : memref<4x3584xi32, #tpu.memory_space<vmem>>, vector<16xi32>,
          %parallel_loop3A_120 = tpu.vector_load_idx %arg6[%parallel_loop3A_119] : memref<1024xf32, #tpu.memory_space<vmem>>[vector<16xi32>], vector<16xf32>,
          %parallel_loop3A_121 = arith.constant 0 : i32
          %parallel_loop3A_122 = arith.index_cast %parallel_loop3A_121 : i32 to index
          %parallel_loop3A_123 = arith.index_cast %parallel_loop3A_115 : i32 to index
          %parallel_loop3A_124 = tpu.vector_load %arg8[%parallel_loop3A_122, %parallel_loop3A_123] {strides = array<i32>} : memref<4x3584xf32, #tpu.memory_space<vmem>>, vector<16xf32>,
          %parallel_loop3A_125 = arith.addf %parallel_loop3A_124, %parallel_loop3A_120 : vector<16xf32>
          %parallel_loop3A_126 = arith.constant 0 : i32
          %parallel_loop3A_127 = arith.index_cast %parallel_loop3A_126 : i32 to index
          %parallel_loop3A_128 = arith.index_cast %parallel_loop3A_115 : i32 to index
          %parallel_loop3A_129 = tpu.vector_load %arg11[%parallel_loop3A_127, %parallel_loop3A_128] {strides = array<i32>} : memref<4x3584xf32, #tpu.memory_space<vmem>>, vector<16xf32>,
          tpu.vector_store %arg11[%parallel_loop3A_127, %parallel_loop3A_128], %parallel_loop3A_125 {strides = array<i32>} : memref<4x3584xf32, #tpu.memory_space<vmem>>, vector<16xf32>,
          %parallel_loop3A_130 = arith.constant 1 : i32
          %parallel_loop3A_131 = arith.index_cast %parallel_loop3A_130 : i32 to index
          %parallel_loop3A_132 = arith.index_cast %parallel_loop3A_115 : i32 to index
          %parallel_loop3A_133 = tpu.vector_load %arg7[%parallel_loop3A_131, %parallel_loop3A_132] {strides = array<i32>} : memref<4x3584xi32, #tpu.memory_space<vmem>>, vector<16xi32>,
          %parallel_loop3A_134 = tpu.vector_load_idx %arg6[%parallel_loop3A_133] : memref<1024xf32, #tpu.memory_space<vmem>>[vector<16xi32>], vector<16xf32>,
          %parallel_loop3A_135 = arith.constant 1 : i32
          %parallel_loop3A_136 = arith.index_cast %parallel_loop3A_135 : i32 to index
          %parallel_loop3A_137 = arith.index_cast %parallel_loop3A_115 : i32 to index
          %parallel_loop3A_138 = tpu.vector_load %arg8[%parallel_loop3A_136, %parallel_loop3A_137] {strides = array<i32>} : memref<4x3584xf32, #tpu.memory_space<vmem>>, vector<16xf32>,
          %parallel_loop3A_139 = arith.addf %parallel_loop3A_138, %parallel_loop3A_134 : vector<16xf32>
          %parallel_loop3A_140 = arith.constant 1 : i32
          %parallel_loop3A_141 = arith.index_cast %parallel_loop3A_140 : i32 to index
          %parallel_loop3A_142 = arith.index_cast %parallel_loop3A_115 : i32 to index
          %parallel_loop3A_143 = tpu.vector_load %arg11[%parallel_loop3A_141, %parallel_loop3A_142] {strides = array<i32>} : memref<4x3584xf32, #tpu.memory_space<vmem>>, vector<16xf32>,
          tpu.vector_store %arg11[%parallel_loop3A_141, %parallel_loop3A_142], %parallel_loop3A_139 {strides = array<i32>} : memref<4x3584xf32, #tpu.memory_space<vmem>>, vector<16xf32>,
          %parallel_loop3A_144 = arith.constant 2 : i32
          %parallel_loop3A_145 = arith.index_cast %parallel_loop3A_144 : i32 to index
          %parallel_loop3A_146 = arith.index_cast %parallel_loop3A_115 : i32 to index
          %parallel_loop3A_147 = tpu.vector_load %arg7[%parallel_loop3A_145, %parallel_loop3A_146] {strides = array<i32>} : memref<4x3584xi32, #tpu.memory_space<vmem>>, vector<16xi32>,
          %parallel_loop3A_148 = tpu.vector_load_idx %arg6[%parallel_loop3A_147] : memref<1024xf32, #tpu.memory_space<vmem>>[vector<16xi32>], vector<16xf32>,
          %parallel_loop3A_149 = arith.constant 2 : i32
          %parallel_loop3A_150 = arith.index_cast %parallel_loop3A_149 : i32 to index
          %parallel_loop3A_151 = arith.index_cast %parallel_loop3A_115 : i32 to index
          %parallel_loop3A_152 = tpu.vector_load %arg8[%parallel_loop3A_150, %parallel_loop3A_151] {strides = array<i32>} : memref<4x3584xf32, #tpu.memory_space<vmem>>, vector<16xf32>,
          %parallel_loop3A_153 = arith.addf %parallel_loop3A_152, %parallel_loop3A_148 : vector<16xf32>
          %parallel_loop3A_154 = arith.constant 2 : i32
          %parallel_loop3A_155 = arith.index_cast %parallel_loop3A_154 : i32 to index
          %parallel_loop3A_156 = arith.index_cast %parallel_loop3A_115 : i32 to index
          %parallel_loop3A_157 = tpu.vector_load %arg11[%parallel_loop3A_155, %parallel_loop3A_156] {strides = array<i32>} : memref<4x3584xf32, #tpu.memory_space<vmem>>, vector<16xf32>,
          tpu.vector_store %arg11[%parallel_loop3A_155, %parallel_loop3A_156], %parallel_loop3A_153 {strides = array<i32>} : memref<4x3584xf32, #tpu.memory_space<vmem>>, vector<16xf32>,
          %parallel_loop3A_158 = arith.constant 3 : i32
          %parallel_loop3A_159 = arith.index_cast %parallel_loop3A_158 : i32 to index
          %parallel_loop3A_160 = arith.index_cast %parallel_loop3A_115 : i32 to index
          %parallel_loop3A_161 = tpu.vector_load %arg7[%parallel_loop3A_159, %parallel_loop3A_160] {strides = array<i32>} : memref<4x3584xi32, #tpu.memory_space<vmem>>, vector<16xi32>,
          %parallel_loop3A_162 = tpu.vector_load_idx %arg6[%parallel_loop3A_161] : memref<1024xf32, #tpu.memory_space<vmem>>[vector<16xi32>], vector<16xf32>,
          %parallel_loop3A_163 = arith.constant 3 : i32
          %parallel_loop3A_164 = arith.index_cast %parallel_loop3A_163 : i32 to index
          %parallel_loop3A_165 = arith.index_cast %parallel_loop3A_115 : i32 to index
          %parallel_loop3A_166 = tpu.vector_load %arg8[%parallel_loop3A_164, %parallel_loop3A_165] {strides = array<i32>} : memref<4x3584xf32, #tpu.memory_space<vmem>>, vector<16xf32>,
          %parallel_loop3A_167 = arith.addf %parallel_loop3A_166, %parallel_loop3A_162 : vector<16xf32>
          %parallel_loop3A_168 = arith.constant 3 : i32
          %parallel_loop3A_169 = arith.index_cast %parallel_loop3A_168 : i32 to index
          %parallel_loop3A_170 = arith.index_cast %parallel_loop3A_115 : i32 to index
          %parallel_loop3A_171 = tpu.vector_load %arg11[%parallel_loop3A_169, %parallel_loop3A_170] {strides = array<i32>} : memref<4x3584xf32, #tpu.memory_space<vmem>>, vector<16xf32>,
          tpu.vector_store %arg11[%parallel_loop3A_169, %parallel_loop3A_170], %parallel_loop3A_167 {strides = array<i32>} : memref<4x3584xf32, #tpu.memory_space<vmem>>, vector<16xf32>,
        } {sc.loop_unroll_factor = 8 : i64, sc.parallel_access}
        %mul3A_101 = arith.constant 32 : i32
        %mul3A_102 = arith.muli %while3A_68, %mul3A_101 : i32
        %add3A_103 = arith.addi %add3A, %mul3A_102 : i32
        %mul3A_104 = arith.constant 3584 : i32
        %mul3A_105 = arith.muli %add3A_103, %mul3A_104 : i32
        %dma_start3A_106 = arith.constant 0 : i32
        %dma_start3A_107 = tpu.memref_slice %arg5[%dma_start3A_106, %mul3A_105] : memref<4x1000000xf32, #tpu.memory_space<hbm>> -> memref<4x3584xf32, #tpu.memory_space<hbm>>
        %dma_start3A_108 = arith.constant 0 : i32
        %dma_start3A_109 = tpu.memref_slice %arg5[%dma_start3A_108, %mul3A_105] : memref<4x1000000xf32, #tpu.memory_space<hbm>> -> memref<4x3584xf32, #tpu.memory_space<hbm>>
        tpu.enqueue_dma source(%arg11 : memref<4x3584xf32, #tpu.memory_space<vmem>>) target(%dma_start3A_109 : memref<4x3584xf32, #tpu.memory_space<hbm>>) target_semaphore(%arg17 : memref<!tpu.dma_semaphore, #tpu.memory_space<semaphore_mem>>)
        %add3A_110 = arith.constant 2 : i32
        %add3A_111 = arith.addi %while3A_68, %add3A_110 : i32
        %lt3A = arith.cmpi slt, %add3A_111, %select_n3A : i32
        %convert_element_type3A_112 = arith.extui %lt3A : i1 to i32
        %cond3A_113 = arith.constant 0 : i32
        %cond3A_114 = arith.cmpi ne, %convert_element_type3A_112, %cond3A_113 : i32
        scf.if %cond3A_114 {
          %add3A_115 = arith.constant 2 : i32
          %add3A_116 = arith.addi %while3A_68, %add3A_115 : i32
          %mul3A_117 = arith.constant 32 : i32
          %mul3A_118 = arith.muli %add3A_116, %mul3A_117 : i32
          %add3A_119 = arith.addi %add3A, %mul3A_118 : i32
          %mul3A_120 = arith.constant 3584 : i32
          %mul3A_121 = arith.muli %add3A_119, %mul3A_120 : i32
          %dma_start3A_122 = arith.constant 0 : i32
          %dma_start3A_123 = tpu.memref_slice %arg3[%dma_start3A_122, %mul3A_121] : memref<4x1000000xi32, #tpu.memory_space<hbm>> -> memref<4x3584xi32, #tpu.memory_space<hbm>>
          %dma_start3A_124 = arith.constant 0 : i32
          %dma_start3A_125 = tpu.memref_slice %arg3[%dma_start3A_124, %mul3A_121] : memref<4x1000000xi32, #tpu.memory_space<hbm>> -> memref<4x3584xi32, #tpu.memory_space<hbm>>
          tpu.enqueue_dma source(%dma_start3A_125 : memref<4x3584xi32, #tpu.memory_space<hbm>>) target(%arg7 : memref<4x3584xi32, #tpu.memory_space<vmem>>) target_semaphore(%arg15 : memref<!tpu.dma_semaphore, #tpu.memory_space<semaphore_mem>>)
          %dma_start3A_126 = arith.constant 0 : i32
          %dma_start3A_127 = tpu.memref_slice %arg2[%dma_start3A_126, %mul3A_121] : memref<4x1000000xf32, #tpu.memory_space<hbm>> -> memref<4x3584xf32, #tpu.memory_space<hbm>>
          %dma_start3A_128 = arith.constant 0 : i32
          %dma_start3A_129 = tpu.memref_slice %arg2[%dma_start3A_128, %mul3A_121] : memref<4x1000000xf32, #tpu.memory_space<hbm>> -> memref<4x3584xf32, #tpu.memory_space<hbm>>
          tpu.enqueue_dma source(%dma_start3A_129 : memref<4x3584xf32, #tpu.memory_space<hbm>>) target(%arg8 : memref<4x3584xf32, #tpu.memory_space<vmem>>) target_semaphore(%arg15 : memref<!tpu.dma_semaphore, #tpu.memory_space<semaphore_mem>>)
        } else {
        }
      } else {
      }
      %rem3A_76 = arith.constant 2 : i32
      %rem3A_77 = arith.remsi %while3A_68, %rem3A_76 : i32
      %eq3A_78 = arith.constant 1 : i32
      %eq3A_79 = arith.cmpi eq, %rem3A_77, %eq3A_78 : i32
      %convert_element_type3A_80 = arith.extui %eq3A_79 : i1 to i32
      %cond3A_81 = arith.constant 0 : i32
      %cond3A_82 = arith.cmpi ne, %convert_element_type3A_80, %cond3A_81 : i32
      scf.if %cond3A_82 {
        %dma_wait3A_83 = arith.constant 0 : i32
        %dma_wait3A_84 = arith.constant 0 : i32
        %dma_wait3A_85 = tpu.memref_slice %arg3[%dma_wait3A_83, %dma_wait3A_84] : memref<4x1000000xi32, #tpu.memory_space<hbm>> -> memref<4x3584xi32, #tpu.memory_space<hbm>>
        %dma_wait3A_86 = arith.constant 0 : i32
        %dma_wait3A_87 = arith.constant 0 : i32
        %dma_wait3A_88 = tpu.memref_slice %arg3[%dma_wait3A_86, %dma_wait3A_87] : memref<4x1000000xi32, #tpu.memory_space<hbm>> -> memref<4x3584xi32, #tpu.memory_space<hbm>>
        tpu.wait_dma2 semaphore(%arg16 : memref<!tpu.dma_semaphore, #tpu.memory_space<semaphore_mem>>) src(%dma_wait3A_88 : memref<4x3584xi32, #tpu.memory_space<hbm>>) dst(%arg9 : memref<4x3584xi32, #tpu.memory_space<vmem>>)
        %dma_wait3A_89 = arith.constant 0 : i32
        %dma_wait3A_90 = arith.constant 0 : i32
        %dma_wait3A_91 = tpu.memref_slice %arg2[%dma_wait3A_89, %dma_wait3A_90] : memref<4x1000000xf32, #tpu.memory_space<hbm>> -> memref<4x3584xf32, #tpu.memory_space<hbm>>
        %dma_wait3A_92 = arith.constant 0 : i32
        %dma_wait3A_93 = arith.constant 0 : i32
        %dma_wait3A_94 = tpu.memref_slice %arg2[%dma_wait3A_92, %dma_wait3A_93] : memref<4x1000000xf32, #tpu.memory_space<hbm>> -> memref<4x3584xf32, #tpu.memory_space<hbm>>
        tpu.wait_dma2 semaphore(%arg16 : memref<!tpu.dma_semaphore, #tpu.memory_space<semaphore_mem>>) src(%dma_wait3A_94 : memref<4x3584xf32, #tpu.memory_space<hbm>>) dst(%arg10 : memref<4x3584xf32, #tpu.memory_space<vmem>>)
        %ge3A = arith.constant 2 : i32
        %ge3A_95 = arith.cmpi sge, %while3A_68, %ge3A : i32
        %convert_element_type3A_96 = arith.extui %ge3A_95 : i1 to i32
        %cond3A_97 = arith.constant 0 : i32
        %cond3A_98 = arith.cmpi ne, %convert_element_type3A_96, %cond3A_97 : i32
        scf.if %cond3A_98 {
          %dma_wait3A_115 = arith.constant 0 : i32
          %dma_wait3A_116 = arith.constant 0 : i32
          %dma_wait3A_117 = tpu.memref_slice %arg5[%dma_wait3A_115, %dma_wait3A_116] : memref<4x1000000xf32, #tpu.memory_space<hbm>> -> memref<4x3584xf32, #tpu.memory_space<hbm>>
          %dma_wait3A_118 = arith.constant 0 : i32
          %dma_wait3A_119 = arith.constant 0 : i32
          %dma_wait3A_120 = tpu.memref_slice %arg5[%dma_wait3A_118, %dma_wait3A_119] : memref<4x1000000xf32, #tpu.memory_space<hbm>> -> memref<4x3584xf32, #tpu.memory_space<hbm>>
          tpu.wait_dma2 semaphore(%arg18 : memref<!tpu.dma_semaphore, #tpu.memory_space<semaphore_mem>>) src(%arg12 : memref<4x3584xf32, #tpu.memory_space<vmem>>) dst(%dma_wait3A_120 : memref<4x3584xf32, #tpu.memory_space<hbm>>)
        } else {
        }
        %parallel_loop3A = arith.constant 0 : i32
        %parallel_loop3A_99 = arith.constant 3584 : i32
        %parallel_loop3A_100 = arith.constant 16 : i32
        scf.for %parallel_loop3A_115 = %parallel_loop3A to %parallel_loop3A_99 step %parallel_loop3A_100  : i32 {
          %parallel_loop3A_116 = arith.constant 0 : i32
          %parallel_loop3A_117 = arith.index_cast %parallel_loop3A_116 : i32 to index
          %parallel_loop3A_118 = arith.index_cast %parallel_loop3A_115 : i32 to index
          %parallel_loop3A_119 = tpu.vector_load %arg9[%parallel_loop3A_117, %parallel_loop3A_118] {strides = array<i32>} : memref<4x3584xi32, #tpu.memory_space<vmem>>, vector<16xi32>,
          %parallel_loop3A_120 = tpu.vector_load_idx %arg6[%parallel_loop3A_119] : memref<1024xf32, #tpu.memory_space<vmem>>[vector<16xi32>], vector<16xf32>,
          %parallel_loop3A_121 = arith.constant 0 : i32
          %parallel_loop3A_122 = arith.index_cast %parallel_loop3A_121 : i32 to index
          %parallel_loop3A_123 = arith.index_cast %parallel_loop3A_115 : i32 to index
          %parallel_loop3A_124 = tpu.vector_load %arg10[%parallel_loop3A_122, %parallel_loop3A_123] {strides = array<i32>} : memref<4x3584xf32, #tpu.memory_space<vmem>>, vector<16xf32>,
          %parallel_loop3A_125 = arith.addf %parallel_loop3A_124, %parallel_loop3A_120 : vector<16xf32>
          %parallel_loop3A_126 = arith.constant 0 : i32
          %parallel_loop3A_127 = arith.index_cast %parallel_loop3A_126 : i32 to index
          %parallel_loop3A_128 = arith.index_cast %parallel_loop3A_115 : i32 to index
          %parallel_loop3A_129 = tpu.vector_load %arg12[%parallel_loop3A_127, %parallel_loop3A_128] {strides = array<i32>} : memref<4x3584xf32, #tpu.memory_space<vmem>>, vector<16xf32>,
          tpu.vector_store %arg12[%parallel_loop3A_127, %parallel_loop3A_128], %parallel_loop3A_125 {strides = array<i32>} : memref<4x3584xf32, #tpu.memory_space<vmem>>, vector<16xf32>,
          %parallel_loop3A_130 = arith.constant 1 : i32
          %parallel_loop3A_131 = arith.index_cast %parallel_loop3A_130 : i32 to index
          %parallel_loop3A_132 = arith.index_cast %parallel_loop3A_115 : i32 to index
          %parallel_loop3A_133 = tpu.vector_load %arg9[%parallel_loop3A_131, %parallel_loop3A_132] {strides = array<i32>} : memref<4x3584xi32, #tpu.memory_space<vmem>>, vector<16xi32>,
          %parallel_loop3A_134 = tpu.vector_load_idx %arg6[%parallel_loop3A_133] : memref<1024xf32, #tpu.memory_space<vmem>>[vector<16xi32>], vector<16xf32>,
          %parallel_loop3A_135 = arith.constant 1 : i32
          %parallel_loop3A_136 = arith.index_cast %parallel_loop3A_135 : i32 to index
          %parallel_loop3A_137 = arith.index_cast %parallel_loop3A_115 : i32 to index
          %parallel_loop3A_138 = tpu.vector_load %arg10[%parallel_loop3A_136, %parallel_loop3A_137] {strides = array<i32>} : memref<4x3584xf32, #tpu.memory_space<vmem>>, vector<16xf32>,
          %parallel_loop3A_139 = arith.addf %parallel_loop3A_138, %parallel_loop3A_134 : vector<16xf32>
          %parallel_loop3A_140 = arith.constant 1 : i32
          %parallel_loop3A_141 = arith.index_cast %parallel_loop3A_140 : i32 to index
          %parallel_loop3A_142 = arith.index_cast %parallel_loop3A_115 : i32 to index
          %parallel_loop3A_143 = tpu.vector_load %arg12[%parallel_loop3A_141, %parallel_loop3A_142] {strides = array<i32>} : memref<4x3584xf32, #tpu.memory_space<vmem>>, vector<16xf32>,
          tpu.vector_store %arg12[%parallel_loop3A_141, %parallel_loop3A_142], %parallel_loop3A_139 {strides = array<i32>} : memref<4x3584xf32, #tpu.memory_space<vmem>>, vector<16xf32>,
          %parallel_loop3A_144 = arith.constant 2 : i32
          %parallel_loop3A_145 = arith.index_cast %parallel_loop3A_144 : i32 to index
          %parallel_loop3A_146 = arith.index_cast %parallel_loop3A_115 : i32 to index
          %parallel_loop3A_147 = tpu.vector_load %arg9[%parallel_loop3A_145, %parallel_loop3A_146] {strides = array<i32>} : memref<4x3584xi32, #tpu.memory_space<vmem>>, vector<16xi32>,
          %parallel_loop3A_148 = tpu.vector_load_idx %arg6[%parallel_loop3A_147] : memref<1024xf32, #tpu.memory_space<vmem>>[vector<16xi32>], vector<16xf32>,
          %parallel_loop3A_149 = arith.constant 2 : i32
          %parallel_loop3A_150 = arith.index_cast %parallel_loop3A_149 : i32 to index
          %parallel_loop3A_151 = arith.index_cast %parallel_loop3A_115 : i32 to index
          %parallel_loop3A_152 = tpu.vector_load %arg10[%parallel_loop3A_150, %parallel_loop3A_151] {strides = array<i32>} : memref<4x3584xf32, #tpu.memory_space<vmem>>, vector<16xf32>,
          %parallel_loop3A_153 = arith.addf %parallel_loop3A_152, %parallel_loop3A_148 : vector<16xf32>
          %parallel_loop3A_154 = arith.constant 2 : i32
          %parallel_loop3A_155 = arith.index_cast %parallel_loop3A_154 : i32 to index
          %parallel_loop3A_156 = arith.index_cast %parallel_loop3A_115 : i32 to index
          %parallel_loop3A_157 = tpu.vector_load %arg12[%parallel_loop3A_155, %parallel_loop3A_156] {strides = array<i32>} : memref<4x3584xf32, #tpu.memory_space<vmem>>, vector<16xf32>,
          tpu.vector_store %arg12[%parallel_loop3A_155, %parallel_loop3A_156], %parallel_loop3A_153 {strides = array<i32>} : memref<4x3584xf32, #tpu.memory_space<vmem>>, vector<16xf32>,
          %parallel_loop3A_158 = arith.constant 3 : i32
          %parallel_loop3A_159 = arith.index_cast %parallel_loop3A_158 : i32 to index
          %parallel_loop3A_160 = arith.index_cast %parallel_loop3A_115 : i32 to index
          %parallel_loop3A_161 = tpu.vector_load %arg9[%parallel_loop3A_159, %parallel_loop3A_160] {strides = array<i32>} : memref<4x3584xi32, #tpu.memory_space<vmem>>, vector<16xi32>,
          %parallel_loop3A_162 = tpu.vector_load_idx %arg6[%parallel_loop3A_161] : memref<1024xf32, #tpu.memory_space<vmem>>[vector<16xi32>], vector<16xf32>,
          %parallel_loop3A_163 = arith.constant 3 : i32
          %parallel_loop3A_164 = arith.index_cast %parallel_loop3A_163 : i32 to index
          %parallel_loop3A_165 = arith.index_cast %parallel_loop3A_115 : i32 to index
          %parallel_loop3A_166 = tpu.vector_load %arg10[%parallel_loop3A_164, %parallel_loop3A_165] {strides = array<i32>} : memref<4x3584xf32, #tpu.memory_space<vmem>>, vector<16xf32>,
          %parallel_loop3A_167 = arith.addf %parallel_loop3A_166, %parallel_loop3A_162 : vector<16xf32>
          %parallel_loop3A_168 = arith.constant 3 : i32
          %parallel_loop3A_169 = arith.index_cast %parallel_loop3A_168 : i32 to index
          %parallel_loop3A_170 = arith.index_cast %parallel_loop3A_115 : i32 to index
          %parallel_loop3A_171 = tpu.vector_load %arg12[%parallel_loop3A_169, %parallel_loop3A_170] {strides = array<i32>} : memref<4x3584xf32, #tpu.memory_space<vmem>>, vector<16xf32>,
          tpu.vector_store %arg12[%parallel_loop3A_169, %parallel_loop3A_170], %parallel_loop3A_167 {strides = array<i32>} : memref<4x3584xf32, #tpu.memory_space<vmem>>, vector<16xf32>,
        } {sc.loop_unroll_factor = 8 : i64, sc.parallel_access}
        %mul3A_101 = arith.constant 32 : i32
        %mul3A_102 = arith.muli %while3A_68, %mul3A_101 : i32
        %add3A_103 = arith.addi %add3A, %mul3A_102 : i32
        %mul3A_104 = arith.constant 3584 : i32
        %mul3A_105 = arith.muli %add3A_103, %mul3A_104 : i32
        %dma_start3A_106 = arith.constant 0 : i32
        %dma_start3A_107 = tpu.memref_slice %arg5[%dma_start3A_106, %mul3A_105] : memref<4x1000000xf32, #tpu.memory_space<hbm>> -> memref<4x3584xf32, #tpu.memory_space<hbm>>
        %dma_start3A_108 = arith.constant 0 : i32
        %dma_start3A_109 = tpu.memref_slice %arg5[%dma_start3A_108, %mul3A_105] : memref<4x1000000xf32, #tpu.memory_space<hbm>> -> memref<4x3584xf32, #tpu.memory_space<hbm>>
        tpu.enqueue_dma source(%arg12 : memref<4x3584xf32, #tpu.memory_space<vmem>>) target(%dma_start3A_109 : memref<4x3584xf32, #tpu.memory_space<hbm>>) target_semaphore(%arg18 : memref<!tpu.dma_semaphore, #tpu.memory_space<semaphore_mem>>)
        %add3A_110 = arith.constant 2 : i32
        %add3A_111 = arith.addi %while3A_68, %add3A_110 : i32
        %lt3A = arith.cmpi slt, %add3A_111, %select_n3A : i32
        %convert_element_type3A_112 = arith.extui %lt3A : i1 to i32
        %cond3A_113 = arith.constant 0 : i32
        %cond3A_114 = arith.cmpi ne, %convert_element_type3A_112, %cond3A_113 : i32
        scf.if %cond3A_114 {
          %add3A_115 = arith.constant 2 : i32
          %add3A_116 = arith.addi %while3A_68, %add3A_115 : i32
          %mul3A_117 = arith.constant 32 : i32
          %mul3A_118 = arith.muli %add3A_116, %mul3A_117 : i32
          %add3A_119 = arith.addi %add3A, %mul3A_118 : i32
          %mul3A_120 = arith.constant 3584 : i32
          %mul3A_121 = arith.muli %add3A_119, %mul3A_120 : i32
          %dma_start3A_122 = arith.constant 0 : i32
          %dma_start3A_123 = tpu.memref_slice %arg3[%dma_start3A_122, %mul3A_121] : memref<4x1000000xi32, #tpu.memory_space<hbm>> -> memref<4x3584xi32, #tpu.memory_space<hbm>>
          %dma_start3A_124 = arith.constant 0 : i32
          %dma_start3A_125 = tpu.memref_slice %arg3[%dma_start3A_124, %mul3A_121] : memref<4x1000000xi32, #tpu.memory_space<hbm>> -> memref<4x3584xi32, #tpu.memory_space<hbm>>
          tpu.enqueue_dma source(%dma_start3A_125 : memref<4x3584xi32, #tpu.memory_space<hbm>>) target(%arg9 : memref<4x3584xi32, #tpu.memory_space<vmem>>) target_semaphore(%arg16 : memref<!tpu.dma_semaphore, #tpu.memory_space<semaphore_mem>>)
          %dma_start3A_126 = arith.constant 0 : i32
          %dma_start3A_127 = tpu.memref_slice %arg2[%dma_start3A_126, %mul3A_121] : memref<4x1000000xf32, #tpu.memory_space<hbm>> -> memref<4x3584xf32, #tpu.memory_space<hbm>>
          %dma_start3A_128 = arith.constant 0 : i32
          %dma_start3A_129 = tpu.memref_slice %arg2[%dma_start3A_128, %mul3A_121] : memref<4x1000000xf32, #tpu.memory_space<hbm>> -> memref<4x3584xf32, #tpu.memory_space<hbm>>
          tpu.enqueue_dma source(%dma_start3A_129 : memref<4x3584xf32, #tpu.memory_space<hbm>>) target(%arg10 : memref<4x3584xf32, #tpu.memory_space<vmem>>) target_semaphore(%arg16 : memref<!tpu.dma_semaphore, #tpu.memory_space<semaphore_mem>>)
        } else {
        }
      } else {
      }
    }
    %while3A_54 = arith.constant 1 : i32
    scf.for %while3A_68 = %while3A_52 to %while3A_48 step %while3A_54  : i32 {
      %rem3A_69 = arith.constant 2 : i32
      %rem3A_70 = arith.remsi %while3A_68, %rem3A_69 : i32
      %eq3A_71 = arith.constant 0 : i32
      %eq3A_72 = arith.cmpi eq, %rem3A_70, %eq3A_71 : i32
      %convert_element_type3A_73 = arith.extui %eq3A_72 : i1 to i32
      %cond3A_74 = arith.constant 0 : i32
      %cond3A_75 = arith.cmpi ne, %convert_element_type3A_73, %cond3A_74 : i32
      scf.if %cond3A_75 {
        %dma_wait3A_83 = arith.constant 0 : i32
        %dma_wait3A_84 = arith.constant 0 : i32
        %dma_wait3A_85 = tpu.memref_slice %arg3[%dma_wait3A_83, %dma_wait3A_84] : memref<4x1000000xi32, #tpu.memory_space<hbm>> -> memref<4x3584xi32, #tpu.memory_space<hbm>>
        %dma_wait3A_86 = arith.constant 0 : i32
        %dma_wait3A_87 = arith.constant 0 : i32
        %dma_wait3A_88 = tpu.memref_slice %arg3[%dma_wait3A_86, %dma_wait3A_87] : memref<4x1000000xi32, #tpu.memory_space<hbm>> -> memref<4x3584xi32, #tpu.memory_space<hbm>>
        tpu.wait_dma2 semaphore(%arg15 : memref<!tpu.dma_semaphore, #tpu.memory_space<semaphore_mem>>) src(%dma_wait3A_88 : memref<4x3584xi32, #tpu.memory_space<hbm>>) dst(%arg7 : memref<4x3584xi32, #tpu.memory_space<vmem>>)
        %dma_wait3A_89 = arith.constant 0 : i32
        %dma_wait3A_90 = arith.constant 0 : i32
        %dma_wait3A_91 = tpu.memref_slice %arg2[%dma_wait3A_89, %dma_wait3A_90] : memref<4x1000000xf32, #tpu.memory_space<hbm>> -> memref<4x3584xf32, #tpu.memory_space<hbm>>
        %dma_wait3A_92 = arith.constant 0 : i32
        %dma_wait3A_93 = arith.constant 0 : i32
        %dma_wait3A_94 = tpu.memref_slice %arg2[%dma_wait3A_92, %dma_wait3A_93] : memref<4x1000000xf32, #tpu.memory_space<hbm>> -> memref<4x3584xf32, #tpu.memory_space<hbm>>
        tpu.wait_dma2 semaphore(%arg15 : memref<!tpu.dma_semaphore, #tpu.memory_space<semaphore_mem>>) src(%dma_wait3A_94 : memref<4x3584xf32, #tpu.memory_space<hbm>>) dst(%arg8 : memref<4x3584xf32, #tpu.memory_space<vmem>>)
        %ge3A = arith.constant 2 : i32
        %ge3A_95 = arith.cmpi sge, %while3A_68, %ge3A : i32
        %convert_element_type3A_96 = arith.extui %ge3A_95 : i1 to i32
        %cond3A_97 = arith.constant 0 : i32
        %cond3A_98 = arith.cmpi ne, %convert_element_type3A_96, %cond3A_97 : i32
        scf.if %cond3A_98 {
          %dma_wait3A_115 = arith.constant 0 : i32
          %dma_wait3A_116 = arith.constant 0 : i32
          %dma_wait3A_117 = tpu.memref_slice %arg5[%dma_wait3A_115, %dma_wait3A_116] : memref<4x1000000xf32, #tpu.memory_space<hbm>> -> memref<4x3584xf32, #tpu.memory_space<hbm>>
          %dma_wait3A_118 = arith.constant 0 : i32
          %dma_wait3A_119 = arith.constant 0 : i32
          %dma_wait3A_120 = tpu.memref_slice %arg5[%dma_wait3A_118, %dma_wait3A_119] : memref<4x1000000xf32, #tpu.memory_space<hbm>> -> memref<4x3584xf32, #tpu.memory_space<hbm>>
          tpu.wait_dma2 semaphore(%arg17 : memref<!tpu.dma_semaphore, #tpu.memory_space<semaphore_mem>>) src(%arg11 : memref<4x3584xf32, #tpu.memory_space<vmem>>) dst(%dma_wait3A_120 : memref<4x3584xf32, #tpu.memory_space<hbm>>)
        } else {
        }
        %parallel_loop3A = arith.constant 0 : i32
        %parallel_loop3A_99 = arith.constant 3584 : i32
        %parallel_loop3A_100 = arith.constant 16 : i32
        scf.for %parallel_loop3A_115 = %parallel_loop3A to %parallel_loop3A_99 step %parallel_loop3A_100  : i32 {
          %parallel_loop3A_116 = arith.constant 0 : i32
          %parallel_loop3A_117 = arith.index_cast %parallel_loop3A_116 : i32 to index
          %parallel_loop3A_118 = arith.index_cast %parallel_loop3A_115 : i32 to index
          %parallel_loop3A_119 = tpu.vector_load %arg7[%parallel_loop3A_117, %parallel_loop3A_118] {strides = array<i32>} : memref<4x3584xi32, #tpu.memory_space<vmem>>, vector<16xi32>,
          %parallel_loop3A_120 = tpu.vector_load_idx %arg6[%parallel_loop3A_119] : memref<1024xf32, #tpu.memory_space<vmem>>[vector<16xi32>], vector<16xf32>,
          %parallel_loop3A_121 = arith.constant 0 : i32
          %parallel_loop3A_122 = arith.index_cast %parallel_loop3A_121 : i32 to index
          %parallel_loop3A_123 = arith.index_cast %parallel_loop3A_115 : i32 to index
          %parallel_loop3A_124 = tpu.vector_load %arg8[%parallel_loop3A_122, %parallel_loop3A_123] {strides = array<i32>} : memref<4x3584xf32, #tpu.memory_space<vmem>>, vector<16xf32>,
          %parallel_loop3A_125 = arith.addf %parallel_loop3A_124, %parallel_loop3A_120 : vector<16xf32>
          %parallel_loop3A_126 = arith.constant 0 : i32
          %parallel_loop3A_127 = arith.index_cast %parallel_loop3A_126 : i32 to index
          %parallel_loop3A_128 = arith.index_cast %parallel_loop3A_115 : i32 to index
          %parallel_loop3A_129 = tpu.vector_load %arg11[%parallel_loop3A_127, %parallel_loop3A_128] {strides = array<i32>} : memref<4x3584xf32, #tpu.memory_space<vmem>>, vector<16xf32>,
          tpu.vector_store %arg11[%parallel_loop3A_127, %parallel_loop3A_128], %parallel_loop3A_125 {strides = array<i32>} : memref<4x3584xf32, #tpu.memory_space<vmem>>, vector<16xf32>,
          %parallel_loop3A_130 = arith.constant 1 : i32
          %parallel_loop3A_131 = arith.index_cast %parallel_loop3A_130 : i32 to index
          %parallel_loop3A_132 = arith.index_cast %parallel_loop3A_115 : i32 to index
          %parallel_loop3A_133 = tpu.vector_load %arg7[%parallel_loop3A_131, %parallel_loop3A_132] {strides = array<i32>} : memref<4x3584xi32, #tpu.memory_space<vmem>>, vector<16xi32>,
          %parallel_loop3A_134 = tpu.vector_load_idx %arg6[%parallel_loop3A_133] : memref<1024xf32, #tpu.memory_space<vmem>>[vector<16xi32>], vector<16xf32>,
          %parallel_loop3A_135 = arith.constant 1 : i32
          %parallel_loop3A_136 = arith.index_cast %parallel_loop3A_135 : i32 to index
          %parallel_loop3A_137 = arith.index_cast %parallel_loop3A_115 : i32 to index
          %parallel_loop3A_138 = tpu.vector_load %arg8[%parallel_loop3A_136, %parallel_loop3A_137] {strides = array<i32>} : memref<4x3584xf32, #tpu.memory_space<vmem>>, vector<16xf32>,
          %parallel_loop3A_139 = arith.addf %parallel_loop3A_138, %parallel_loop3A_134 : vector<16xf32>
          %parallel_loop3A_140 = arith.constant 1 : i32
          %parallel_loop3A_141 = arith.index_cast %parallel_loop3A_140 : i32 to index
          %parallel_loop3A_142 = arith.index_cast %parallel_loop3A_115 : i32 to index
          %parallel_loop3A_143 = tpu.vector_load %arg11[%parallel_loop3A_141, %parallel_loop3A_142] {strides = array<i32>} : memref<4x3584xf32, #tpu.memory_space<vmem>>, vector<16xf32>,
          tpu.vector_store %arg11[%parallel_loop3A_141, %parallel_loop3A_142], %parallel_loop3A_139 {strides = array<i32>} : memref<4x3584xf32, #tpu.memory_space<vmem>>, vector<16xf32>,
          %parallel_loop3A_144 = arith.constant 2 : i32
          %parallel_loop3A_145 = arith.index_cast %parallel_loop3A_144 : i32 to index
          %parallel_loop3A_146 = arith.index_cast %parallel_loop3A_115 : i32 to index
          %parallel_loop3A_147 = tpu.vector_load %arg7[%parallel_loop3A_145, %parallel_loop3A_146] {strides = array<i32>} : memref<4x3584xi32, #tpu.memory_space<vmem>>, vector<16xi32>,
          %parallel_loop3A_148 = tpu.vector_load_idx %arg6[%parallel_loop3A_147] : memref<1024xf32, #tpu.memory_space<vmem>>[vector<16xi32>], vector<16xf32>,
          %parallel_loop3A_149 = arith.constant 2 : i32
          %parallel_loop3A_150 = arith.index_cast %parallel_loop3A_149 : i32 to index
          %parallel_loop3A_151 = arith.index_cast %parallel_loop3A_115 : i32 to index
          %parallel_loop3A_152 = tpu.vector_load %arg8[%parallel_loop3A_150, %parallel_loop3A_151] {strides = array<i32>} : memref<4x3584xf32, #tpu.memory_space<vmem>>, vector<16xf32>,
          %parallel_loop3A_153 = arith.addf %parallel_loop3A_152, %parallel_loop3A_148 : vector<16xf32>
          %parallel_loop3A_154 = arith.constant 2 : i32
          %parallel_loop3A_155 = arith.index_cast %parallel_loop3A_154 : i32 to index
          %parallel_loop3A_156 = arith.index_cast %parallel_loop3A_115 : i32 to index
          %parallel_loop3A_157 = tpu.vector_load %arg11[%parallel_loop3A_155, %parallel_loop3A_156] {strides = array<i32>} : memref<4x3584xf32, #tpu.memory_space<vmem>>, vector<16xf32>,
          tpu.vector_store %arg11[%parallel_loop3A_155, %parallel_loop3A_156], %parallel_loop3A_153 {strides = array<i32>} : memref<4x3584xf32, #tpu.memory_space<vmem>>, vector<16xf32>,
          %parallel_loop3A_158 = arith.constant 3 : i32
          %parallel_loop3A_159 = arith.index_cast %parallel_loop3A_158 : i32 to index
          %parallel_loop3A_160 = arith.index_cast %parallel_loop3A_115 : i32 to index
          %parallel_loop3A_161 = tpu.vector_load %arg7[%parallel_loop3A_159, %parallel_loop3A_160] {strides = array<i32>} : memref<4x3584xi32, #tpu.memory_space<vmem>>, vector<16xi32>,
          %parallel_loop3A_162 = tpu.vector_load_idx %arg6[%parallel_loop3A_161] : memref<1024xf32, #tpu.memory_space<vmem>>[vector<16xi32>], vector<16xf32>,
          %parallel_loop3A_163 = arith.constant 3 : i32
          %parallel_loop3A_164 = arith.index_cast %parallel_loop3A_163 : i32 to index
          %parallel_loop3A_165 = arith.index_cast %parallel_loop3A_115 : i32 to index
          %parallel_loop3A_166 = tpu.vector_load %arg8[%parallel_loop3A_164, %parallel_loop3A_165] {strides = array<i32>} : memref<4x3584xf32, #tpu.memory_space<vmem>>, vector<16xf32>,
          %parallel_loop3A_167 = arith.addf %parallel_loop3A_166, %parallel_loop3A_162 : vector<16xf32>
          %parallel_loop3A_168 = arith.constant 3 : i32
          %parallel_loop3A_169 = arith.index_cast %parallel_loop3A_168 : i32 to index
          %parallel_loop3A_170 = arith.index_cast %parallel_loop3A_115 : i32 to index
          %parallel_loop3A_171 = tpu.vector_load %arg11[%parallel_loop3A_169, %parallel_loop3A_170] {strides = array<i32>} : memref<4x3584xf32, #tpu.memory_space<vmem>>, vector<16xf32>,
          tpu.vector_store %arg11[%parallel_loop3A_169, %parallel_loop3A_170], %parallel_loop3A_167 {strides = array<i32>} : memref<4x3584xf32, #tpu.memory_space<vmem>>, vector<16xf32>,
        } {sc.loop_unroll_factor = 8 : i64, sc.parallel_access}
        %mul3A_101 = arith.constant 32 : i32
        %mul3A_102 = arith.muli %while3A_68, %mul3A_101 : i32
        %add3A_103 = arith.addi %add3A, %mul3A_102 : i32
        %mul3A_104 = arith.constant 3584 : i32
        %mul3A_105 = arith.muli %add3A_103, %mul3A_104 : i32
        %dma_start3A_106 = arith.constant 0 : i32
        %dma_start3A_107 = tpu.memref_slice %arg5[%dma_start3A_106, %mul3A_105] : memref<4x1000000xf32, #tpu.memory_space<hbm>> -> memref<4x3584xf32, #tpu.memory_space<hbm>>
        %dma_start3A_108 = arith.constant 0 : i32
        %dma_start3A_109 = tpu.memref_slice %arg5[%dma_start3A_108, %mul3A_105] : memref<4x1000000xf32, #tpu.memory_space<hbm>> -> memref<4x3584xf32, #tpu.memory_space<hbm>>
        tpu.enqueue_dma source(%arg11 : memref<4x3584xf32, #tpu.memory_space<vmem>>) target(%dma_start3A_109 : memref<4x3584xf32, #tpu.memory_space<hbm>>) target_semaphore(%arg17 : memref<!tpu.dma_semaphore, #tpu.memory_space<semaphore_mem>>)
        %add3A_110 = arith.constant 2 : i32
        %add3A_111 = arith.addi %while3A_68, %add3A_110 : i32
        %lt3A = arith.cmpi slt, %add3A_111, %select_n3A : i32
        %convert_element_type3A_112 = arith.extui %lt3A : i1 to i32
        %cond3A_113 = arith.constant 0 : i32
        %cond3A_114 = arith.cmpi ne, %convert_element_type3A_112, %cond3A_113 : i32
        scf.if %cond3A_114 {
          %add3A_115 = arith.constant 2 : i32
          %add3A_116 = arith.addi %while3A_68, %add3A_115 : i32
          %mul3A_117 = arith.constant 32 : i32
          %mul3A_118 = arith.muli %add3A_116, %mul3A_117 : i32
          %add3A_119 = arith.addi %add3A, %mul3A_118 : i32
          %mul3A_120 = arith.constant 3584 : i32
          %mul3A_121 = arith.muli %add3A_119, %mul3A_120 : i32
          %dma_start3A_122 = arith.constant 0 : i32
          %dma_start3A_123 = tpu.memref_slice %arg3[%dma_start3A_122, %mul3A_121] : memref<4x1000000xi32, #tpu.memory_space<hbm>> -> memref<4x3584xi32, #tpu.memory_space<hbm>>
          %dma_start3A_124 = arith.constant 0 : i32
          %dma_start3A_125 = tpu.memref_slice %arg3[%dma_start3A_124, %mul3A_121] : memref<4x1000000xi32, #tpu.memory_space<hbm>> -> memref<4x3584xi32, #tpu.memory_space<hbm>>
          tpu.enqueue_dma source(%dma_start3A_125 : memref<4x3584xi32, #tpu.memory_space<hbm>>) target(%arg7 : memref<4x3584xi32, #tpu.memory_space<vmem>>) target_semaphore(%arg15 : memref<!tpu.dma_semaphore, #tpu.memory_space<semaphore_mem>>)
          %dma_start3A_126 = arith.constant 0 : i32
          %dma_start3A_127 = tpu.memref_slice %arg2[%dma_start3A_126, %mul3A_121] : memref<4x1000000xf32, #tpu.memory_space<hbm>> -> memref<4x3584xf32, #tpu.memory_space<hbm>>
          %dma_start3A_128 = arith.constant 0 : i32
          %dma_start3A_129 = tpu.memref_slice %arg2[%dma_start3A_128, %mul3A_121] : memref<4x1000000xf32, #tpu.memory_space<hbm>> -> memref<4x3584xf32, #tpu.memory_space<hbm>>
          tpu.enqueue_dma source(%dma_start3A_129 : memref<4x3584xf32, #tpu.memory_space<hbm>>) target(%arg8 : memref<4x3584xf32, #tpu.memory_space<vmem>>) target_semaphore(%arg15 : memref<!tpu.dma_semaphore, #tpu.memory_space<semaphore_mem>>)
        } else {
        }
      } else {
      }
      %rem3A_76 = arith.constant 2 : i32
      %rem3A_77 = arith.remsi %while3A_68, %rem3A_76 : i32
      %eq3A_78 = arith.constant 1 : i32
      %eq3A_79 = arith.cmpi eq, %rem3A_77, %eq3A_78 : i32
      %convert_element_type3A_80 = arith.extui %eq3A_79 : i1 to i32
      %cond3A_81 = arith.constant 0 : i32
      %cond3A_82 = arith.cmpi ne, %convert_element_type3A_80, %cond3A_81 : i32
      scf.if %cond3A_82 {
        %dma_wait3A_83 = arith.constant 0 : i32
        %dma_wait3A_84 = arith.constant 0 : i32
        %dma_wait3A_85 = tpu.memref_slice %arg3[%dma_wait3A_83, %dma_wait3A_84] : memref<4x1000000xi32, #tpu.memory_space<hbm>> -> memref<4x3584xi32, #tpu.memory_space<hbm>>
        %dma_wait3A_86 = arith.constant 0 : i32
        %dma_wait3A_87 = arith.constant 0 : i32
        %dma_wait3A_88 = tpu.memref_slice %arg3[%dma_wait3A_86, %dma_wait3A_87] : memref<4x1000000xi32, #tpu.memory_space<hbm>> -> memref<4x3584xi32, #tpu.memory_space<hbm>>
        tpu.wait_dma2 semaphore(%arg16 : memref<!tpu.dma_semaphore, #tpu.memory_space<semaphore_mem>>) src(%dma_wait3A_88 : memref<4x3584xi32, #tpu.memory_space<hbm>>) dst(%arg9 : memref<4x3584xi32, #tpu.memory_space<vmem>>)
        %dma_wait3A_89 = arith.constant 0 : i32
        %dma_wait3A_90 = arith.constant 0 : i32
        %dma_wait3A_91 = tpu.memref_slice %arg2[%dma_wait3A_89, %dma_wait3A_90] : memref<4x1000000xf32, #tpu.memory_space<hbm>> -> memref<4x3584xf32, #tpu.memory_space<hbm>>
        %dma_wait3A_92 = arith.constant 0 : i32
        %dma_wait3A_93 = arith.constant 0 : i32
        %dma_wait3A_94 = tpu.memref_slice %arg2[%dma_wait3A_92, %dma_wait3A_93] : memref<4x1000000xf32, #tpu.memory_space<hbm>> -> memref<4x3584xf32, #tpu.memory_space<hbm>>
        tpu.wait_dma2 semaphore(%arg16 : memref<!tpu.dma_semaphore, #tpu.memory_space<semaphore_mem>>) src(%dma_wait3A_94 : memref<4x3584xf32, #tpu.memory_space<hbm>>) dst(%arg10 : memref<4x3584xf32, #tpu.memory_space<vmem>>)
        %ge3A = arith.constant 2 : i32
        %ge3A_95 = arith.cmpi sge, %while3A_68, %ge3A : i32
        %convert_element_type3A_96 = arith.extui %ge3A_95 : i1 to i32
        %cond3A_97 = arith.constant 0 : i32
        %cond3A_98 = arith.cmpi ne, %convert_element_type3A_96, %cond3A_97 : i32
        scf.if %cond3A_98 {
          %dma_wait3A_115 = arith.constant 0 : i32
          %dma_wait3A_116 = arith.constant 0 : i32
          %dma_wait3A_117 = tpu.memref_slice %arg5[%dma_wait3A_115, %dma_wait3A_116] : memref<4x1000000xf32, #tpu.memory_space<hbm>> -> memref<4x3584xf32, #tpu.memory_space<hbm>>
          %dma_wait3A_118 = arith.constant 0 : i32
          %dma_wait3A_119 = arith.constant 0 : i32
          %dma_wait3A_120 = tpu.memref_slice %arg5[%dma_wait3A_118, %dma_wait3A_119] : memref<4x1000000xf32, #tpu.memory_space<hbm>> -> memref<4x3584xf32, #tpu.memory_space<hbm>>
          tpu.wait_dma2 semaphore(%arg18 : memref<!tpu.dma_semaphore, #tpu.memory_space<semaphore_mem>>) src(%arg12 : memref<4x3584xf32, #tpu.memory_space<vmem>>) dst(%dma_wait3A_120 : memref<4x3584xf32, #tpu.memory_space<hbm>>)
        } else {
        }
        %parallel_loop3A = arith.constant 0 : i32
        %parallel_loop3A_99 = arith.constant 3584 : i32
        %parallel_loop3A_100 = arith.constant 16 : i32
        scf.for %parallel_loop3A_115 = %parallel_loop3A to %parallel_loop3A_99 step %parallel_loop3A_100  : i32 {
          %parallel_loop3A_116 = arith.constant 0 : i32
          %parallel_loop3A_117 = arith.index_cast %parallel_loop3A_116 : i32 to index
          %parallel_loop3A_118 = arith.index_cast %parallel_loop3A_115 : i32 to index
          %parallel_loop3A_119 = tpu.vector_load %arg9[%parallel_loop3A_117, %parallel_loop3A_118] {strides = array<i32>} : memref<4x3584xi32, #tpu.memory_space<vmem>>, vector<16xi32>,
          %parallel_loop3A_120 = tpu.vector_load_idx %arg6[%parallel_loop3A_119] : memref<1024xf32, #tpu.memory_space<vmem>>[vector<16xi32>], vector<16xf32>,
          %parallel_loop3A_121 = arith.constant 0 : i32
          %parallel_loop3A_122 = arith.index_cast %parallel_loop3A_121 : i32 to index
          %parallel_loop3A_123 = arith.index_cast %parallel_loop3A_115 : i32 to index
          %parallel_loop3A_124 = tpu.vector_load %arg10[%parallel_loop3A_122, %parallel_loop3A_123] {strides = array<i32>} : memref<4x3584xf32, #tpu.memory_space<vmem>>, vector<16xf32>,
          %parallel_loop3A_125 = arith.addf %parallel_loop3A_124, %parallel_loop3A_120 : vector<16xf32>
          %parallel_loop3A_126 = arith.constant 0 : i32
          %parallel_loop3A_127 = arith.index_cast %parallel_loop3A_126 : i32 to index
          %parallel_loop3A_128 = arith.index_cast %parallel_loop3A_115 : i32 to index
          %parallel_loop3A_129 = tpu.vector_load %arg12[%parallel_loop3A_127, %parallel_loop3A_128] {strides = array<i32>} : memref<4x3584xf32, #tpu.memory_space<vmem>>, vector<16xf32>,
          tpu.vector_store %arg12[%parallel_loop3A_127, %parallel_loop3A_128], %parallel_loop3A_125 {strides = array<i32>} : memref<4x3584xf32, #tpu.memory_space<vmem>>, vector<16xf32>,
          %parallel_loop3A_130 = arith.constant 1 : i32
          %parallel_loop3A_131 = arith.index_cast %parallel_loop3A_130 : i32 to index
          %parallel_loop3A_132 = arith.index_cast %parallel_loop3A_115 : i32 to index
          %parallel_loop3A_133 = tpu.vector_load %arg9[%parallel_loop3A_131, %parallel_loop3A_132] {strides = array<i32>} : memref<4x3584xi32, #tpu.memory_space<vmem>>, vector<16xi32>,
          %parallel_loop3A_134 = tpu.vector_load_idx %arg6[%parallel_loop3A_133] : memref<1024xf32, #tpu.memory_space<vmem>>[vector<16xi32>], vector<16xf32>,
          %parallel_loop3A_135 = arith.constant 1 : i32
          %parallel_loop3A_136 = arith.index_cast %parallel_loop3A_135 : i32 to index
          %parallel_loop3A_137 = arith.index_cast %parallel_loop3A_115 : i32 to index
          %parallel_loop3A_138 = tpu.vector_load %arg10[%parallel_loop3A_136, %parallel_loop3A_137] {strides = array<i32>} : memref<4x3584xf32, #tpu.memory_space<vmem>>, vector<16xf32>,
          %parallel_loop3A_139 = arith.addf %parallel_loop3A_138, %parallel_loop3A_134 : vector<16xf32>
          %parallel_loop3A_140 = arith.constant 1 : i32
          %parallel_loop3A_141 = arith.index_cast %parallel_loop3A_140 : i32 to index
          %parallel_loop3A_142 = arith.index_cast %parallel_loop3A_115 : i32 to index
          %parallel_loop3A_143 = tpu.vector_load %arg12[%parallel_loop3A_141, %parallel_loop3A_142] {strides = array<i32>} : memref<4x3584xf32, #tpu.memory_space<vmem>>, vector<16xf32>,
          tpu.vector_store %arg12[%parallel_loop3A_141, %parallel_loop3A_142], %parallel_loop3A_139 {strides = array<i32>} : memref<4x3584xf32, #tpu.memory_space<vmem>>, vector<16xf32>,
          %parallel_loop3A_144 = arith.constant 2 : i32
          %parallel_loop3A_145 = arith.index_cast %parallel_loop3A_144 : i32 to index
          %parallel_loop3A_146 = arith.index_cast %parallel_loop3A_115 : i32 to index
          %parallel_loop3A_147 = tpu.vector_load %arg9[%parallel_loop3A_145, %parallel_loop3A_146] {strides = array<i32>} : memref<4x3584xi32, #tpu.memory_space<vmem>>, vector<16xi32>,
          %parallel_loop3A_148 = tpu.vector_load_idx %arg6[%parallel_loop3A_147] : memref<1024xf32, #tpu.memory_space<vmem>>[vector<16xi32>], vector<16xf32>,
          %parallel_loop3A_149 = arith.constant 2 : i32
          %parallel_loop3A_150 = arith.index_cast %parallel_loop3A_149 : i32 to index
          %parallel_loop3A_151 = arith.index_cast %parallel_loop3A_115 : i32 to index
          %parallel_loop3A_152 = tpu.vector_load %arg10[%parallel_loop3A_150, %parallel_loop3A_151] {strides = array<i32>} : memref<4x3584xf32, #tpu.memory_space<vmem>>, vector<16xf32>,
          %parallel_loop3A_153 = arith.addf %parallel_loop3A_152, %parallel_loop3A_148 : vector<16xf32>
          %parallel_loop3A_154 = arith.constant 2 : i32
          %parallel_loop3A_155 = arith.index_cast %parallel_loop3A_154 : i32 to index
          %parallel_loop3A_156 = arith.index_cast %parallel_loop3A_115 : i32 to index
          %parallel_loop3A_157 = tpu.vector_load %arg12[%parallel_loop3A_155, %parallel_loop3A_156] {strides = array<i32>} : memref<4x3584xf32, #tpu.memory_space<vmem>>, vector<16xf32>,
          tpu.vector_store %arg12[%parallel_loop3A_155, %parallel_loop3A_156], %parallel_loop3A_153 {strides = array<i32>} : memref<4x3584xf32, #tpu.memory_space<vmem>>, vector<16xf32>,
          %parallel_loop3A_158 = arith.constant 3 : i32
          %parallel_loop3A_159 = arith.index_cast %parallel_loop3A_158 : i32 to index
          %parallel_loop3A_160 = arith.index_cast %parallel_loop3A_115 : i32 to index
          %parallel_loop3A_161 = tpu.vector_load %arg9[%parallel_loop3A_159, %parallel_loop3A_160] {strides = array<i32>} : memref<4x3584xi32, #tpu.memory_space<vmem>>, vector<16xi32>,
          %parallel_loop3A_162 = tpu.vector_load_idx %arg6[%parallel_loop3A_161] : memref<1024xf32, #tpu.memory_space<vmem>>[vector<16xi32>], vector<16xf32>,
          %parallel_loop3A_163 = arith.constant 3 : i32
          %parallel_loop3A_164 = arith.index_cast %parallel_loop3A_163 : i32 to index
          %parallel_loop3A_165 = arith.index_cast %parallel_loop3A_115 : i32 to index
          %parallel_loop3A_166 = tpu.vector_load %arg10[%parallel_loop3A_164, %parallel_loop3A_165] {strides = array<i32>} : memref<4x3584xf32, #tpu.memory_space<vmem>>, vector<16xf32>,
          %parallel_loop3A_167 = arith.addf %parallel_loop3A_166, %parallel_loop3A_162 : vector<16xf32>
          %parallel_loop3A_168 = arith.constant 3 : i32
          %parallel_loop3A_169 = arith.index_cast %parallel_loop3A_168 : i32 to index
          %parallel_loop3A_170 = arith.index_cast %parallel_loop3A_115 : i32 to index
          %parallel_loop3A_171 = tpu.vector_load %arg12[%parallel_loop3A_169, %parallel_loop3A_170] {strides = array<i32>} : memref<4x3584xf32, #tpu.memory_space<vmem>>, vector<16xf32>,
          tpu.vector_store %arg12[%parallel_loop3A_169, %parallel_loop3A_170], %parallel_loop3A_167 {strides = array<i32>} : memref<4x3584xf32, #tpu.memory_space<vmem>>, vector<16xf32>,
        } {sc.loop_unroll_factor = 8 : i64, sc.parallel_access}
        %mul3A_101 = arith.constant 32 : i32
        %mul3A_102 = arith.muli %while3A_68, %mul3A_101 : i32
        %add3A_103 = arith.addi %add3A, %mul3A_102 : i32
        %mul3A_104 = arith.constant 3584 : i32
        %mul3A_105 = arith.muli %add3A_103, %mul3A_104 : i32
        %dma_start3A_106 = arith.constant 0 : i32
        %dma_start3A_107 = tpu.memref_slice %arg5[%dma_start3A_106, %mul3A_105] : memref<4x1000000xf32, #tpu.memory_space<hbm>> -> memref<4x3584xf32, #tpu.memory_space<hbm>>
        %dma_start3A_108 = arith.constant 0 : i32
        %dma_start3A_109 = tpu.memref_slice %arg5[%dma_start3A_108, %mul3A_105] : memref<4x1000000xf32, #tpu.memory_space<hbm>> -> memref<4x3584xf32, #tpu.memory_space<hbm>>
        tpu.enqueue_dma source(%arg12 : memref<4x3584xf32, #tpu.memory_space<vmem>>) target(%dma_start3A_109 : memref<4x3584xf32, #tpu.memory_space<hbm>>) target_semaphore(%arg18 : memref<!tpu.dma_semaphore, #tpu.memory_space<semaphore_mem>>)
        %add3A_110 = arith.constant 2 : i32
        %add3A_111 = arith.addi %while3A_68, %add3A_110 : i32
        %lt3A = arith.cmpi slt, %add3A_111, %select_n3A : i32
        %convert_element_type3A_112 = arith.extui %lt3A : i1 to i32
        %cond3A_113 = arith.constant 0 : i32
        %cond3A_114 = arith.cmpi ne, %convert_element_type3A_112, %cond3A_113 : i32
        scf.if %cond3A_114 {
          %add3A_115 = arith.constant 2 : i32
          %add3A_116 = arith.addi %while3A_68, %add3A_115 : i32
          %mul3A_117 = arith.constant 32 : i32
          %mul3A_118 = arith.muli %add3A_116, %mul3A_117 : i32
          %add3A_119 = arith.addi %add3A, %mul3A_118 : i32
          %mul3A_120 = arith.constant 3584 : i32
          %mul3A_121 = arith.muli %add3A_119, %mul3A_120 : i32
          %dma_start3A_122 = arith.constant 0 : i32
          %dma_start3A_123 = tpu.memref_slice %arg3[%dma_start3A_122, %mul3A_121] : memref<4x1000000xi32, #tpu.memory_space<hbm>> -> memref<4x3584xi32, #tpu.memory_space<hbm>>
          %dma_start3A_124 = arith.constant 0 : i32
          %dma_start3A_125 = tpu.memref_slice %arg3[%dma_start3A_124, %mul3A_121] : memref<4x1000000xi32, #tpu.memory_space<hbm>> -> memref<4x3584xi32, #tpu.memory_space<hbm>>
          tpu.enqueue_dma source(%dma_start3A_125 : memref<4x3584xi32, #tpu.memory_space<hbm>>) target(%arg9 : memref<4x3584xi32, #tpu.memory_space<vmem>>) target_semaphore(%arg16 : memref<!tpu.dma_semaphore, #tpu.memory_space<semaphore_mem>>)
          %dma_start3A_126 = arith.constant 0 : i32
          %dma_start3A_127 = tpu.memref_slice %arg2[%dma_start3A_126, %mul3A_121] : memref<4x1000000xf32, #tpu.memory_space<hbm>> -> memref<4x3584xf32, #tpu.memory_space<hbm>>
          %dma_start3A_128 = arith.constant 0 : i32
          %dma_start3A_129 = tpu.memref_slice %arg2[%dma_start3A_128, %mul3A_121] : memref<4x1000000xf32, #tpu.memory_space<hbm>> -> memref<4x3584xf32, #tpu.memory_space<hbm>>
          tpu.enqueue_dma source(%dma_start3A_129 : memref<4x3584xf32, #tpu.memory_space<hbm>>) target(%arg10 : memref<4x3584xf32, #tpu.memory_space<vmem>>) target_semaphore(%arg16 : memref<!tpu.dma_semaphore, #tpu.memory_space<semaphore_mem>>)
        } else {
        }
      } else {
      }
    }
    %dma_wait3A = arith.constant 0 : i32
    %dma_wait3A_55 = arith.constant 0 : i32
    %dma_wait3A_56 = tpu.memref_slice %arg5[%dma_wait3A, %dma_wait3A_55] : memref<4x1000000xf32, #tpu.memory_space<hbm>> -> memref<4x3584xf32, #tpu.memory_space<hbm>>
    %dma_wait3A_57 = arith.constant 0 : i32
    %dma_wait3A_58 = arith.constant 0 : i32
    %dma_wait3A_59 = tpu.memref_slice %arg5[%dma_wait3A_57, %dma_wait3A_58] : memref<4x1000000xf32, #tpu.memory_space<hbm>> -> memref<4x3584xf32, #tpu.memory_space<hbm>>
    tpu.wait_dma2 semaphore(%arg17 : memref<!tpu.dma_semaphore, #tpu.memory_space<semaphore_mem>>) src(%arg11 : memref<4x3584xf32, #tpu.memory_space<vmem>>) dst(%dma_wait3A_59 : memref<4x3584xf32, #tpu.memory_space<hbm>>)
    %dma_wait3A_60 = arith.constant 0 : i32
    %dma_wait3A_61 = arith.constant 0 : i32
    %dma_wait3A_62 = tpu.memref_slice %arg5[%dma_wait3A_60, %dma_wait3A_61] : memref<4x1000000xf32, #tpu.memory_space<hbm>> -> memref<4x3584xf32, #tpu.memory_space<hbm>>
    %dma_wait3A_63 = arith.constant 0 : i32
    %dma_wait3A_64 = arith.constant 0 : i32
    %dma_wait3A_65 = tpu.memref_slice %arg5[%dma_wait3A_63, %dma_wait3A_64] : memref<4x1000000xf32, #tpu.memory_space<hbm>> -> memref<4x3584xf32, #tpu.memory_space<hbm>>
    tpu.wait_dma2 semaphore(%arg18 : memref<!tpu.dma_semaphore, #tpu.memory_space<semaphore_mem>>) src(%arg12 : memref<4x3584xf32, #tpu.memory_space<vmem>>) dst(%dma_wait3A_65 : memref<4x3584xf32, #tpu.memory_space<hbm>>)
    %eq3A = arith.constant 31 : i32
    %eq3A_66 = arith.cmpi eq, %add3A, %eq3A : i32
    %convert_element_type3A = arith.extui %eq3A_66 : i1 to i32
    %cond3A = arith.constant 0 : i32
    %cond3A_67 = arith.cmpi ne, %convert_element_type3A, %cond3A : i32
    scf.if %cond3A_67 {
      "tpu.region"() ({
        %run_scoped3A = tpu.sem_alloc : memref<!tpu.dma_semaphore, #tpu.memory_space<semaphore_mem>>
        %dma_start3A_289 = arith.constant 0 : i32
        %dma_start3A_290 = arith.constant 999936 : i32
        %dma_start3A_291 = tpu.memref_slice %arg3[%dma_start3A_289, %dma_start3A_290] : memref<4x1000000xi32, #tpu.memory_space<hbm>> -> memref<4x64xi32, #tpu.memory_space<hbm>>
        %dma_start3A_292 = arith.constant 0 : i32
        %dma_start3A_293 = arith.constant 999936 : i32
        %dma_start3A_294 = tpu.memref_slice %arg3[%dma_start3A_292, %dma_start3A_293] : memref<4x1000000xi32, #tpu.memory_space<hbm>> -> memref<4x64xi32, #tpu.memory_space<hbm>>
        tpu.enqueue_dma source(%dma_start3A_294 : memref<4x64xi32, #tpu.memory_space<hbm>>) target(%arg13 : memref<4x64xi32, #tpu.memory_space<vmem>>) target_semaphore(%run_scoped3A : memref<!tpu.dma_semaphore, #tpu.memory_space<semaphore_mem>>)
        %dma_wait3A_295 = arith.constant 0 : i32
        %dma_wait3A_296 = arith.constant 999936 : i32
        %dma_wait3A_297 = tpu.memref_slice %arg3[%dma_wait3A_295, %dma_wait3A_296] : memref<4x1000000xi32, #tpu.memory_space<hbm>> -> memref<4x64xi32, #tpu.memory_space<hbm>>
        %dma_wait3A_298 = arith.constant 0 : i32
        %dma_wait3A_299 = arith.constant 999936 : i32
        %dma_wait3A_300 = tpu.memref_slice %arg3[%dma_wait3A_298, %dma_wait3A_299] : memref<4x1000000xi32, #tpu.memory_space<hbm>> -> memref<4x64xi32, #tpu.memory_space<hbm>>
        tpu.wait_dma2 semaphore(%run_scoped3A : memref<!tpu.dma_semaphore, #tpu.memory_space<semaphore_mem>>) src(%dma_wait3A_300 : memref<4x64xi32, #tpu.memory_space<hbm>>) dst(%arg13 : memref<4x64xi32, #tpu.memory_space<vmem>>)
        tpu.yield
      }) : () -> ()
      "tpu.region"() ({
        %run_scoped3A = tpu.sem_alloc : memref<!tpu.dma_semaphore, #tpu.memory_space<semaphore_mem>>
        %dma_start3A_289 = arith.constant 0 : i32
        %dma_start3A_290 = arith.constant 999936 : i32
        %dma_start3A_291 = tpu.memref_slice %arg2[%dma_start3A_289, %dma_start3A_290] : memref<4x1000000xf32, #tpu.memory_space<hbm>> -> memref<4x64xf32, #tpu.memory_space<hbm>>
        %dma_start3A_292 = arith.constant 0 : i32
        %dma_start3A_293 = arith.constant 999936 : i32
        %dma_start3A_294 = tpu.memref_slice %arg2[%dma_start3A_292, %dma_start3A_293] : memref<4x1000000xf32, #tpu.memory_space<hbm>> -> memref<4x64xf32, #tpu.memory_space<hbm>>
        tpu.enqueue_dma source(%dma_start3A_294 : memref<4x64xf32, #tpu.memory_space<hbm>>) target(%arg14 : memref<4x64xf32, #tpu.memory_space<vmem>>) target_semaphore(%run_scoped3A : memref<!tpu.dma_semaphore, #tpu.memory_space<semaphore_mem>>)
        %dma_wait3A_295 = arith.constant 0 : i32
        %dma_wait3A_296 = arith.constant 999936 : i32
        %dma_wait3A_297 = tpu.memref_slice %arg2[%dma_wait3A_295, %dma_wait3A_296] : memref<4x1000000xf32, #tpu.memory_space<hbm>> -> memref<4x64xf32, #tpu.memory_space<hbm>>
        %dma_wait3A_298 = arith.constant 0 : i32
        %dma_wait3A_299 = arith.constant 999936 : i32
        %dma_wait3A_300 = tpu.memref_slice %arg2[%dma_wait3A_298, %dma_wait3A_299] : memref<4x1000000xf32, #tpu.memory_space<hbm>> -> memref<4x64xf32, #tpu.memory_space<hbm>>
        tpu.wait_dma2 semaphore(%run_scoped3A : memref<!tpu.dma_semaphore, #tpu.memory_space<semaphore_mem>>) src(%dma_wait3A_300 : memref<4x64xf32, #tpu.memory_space<hbm>>) dst(%arg14 : memref<4x64xf32, #tpu.memory_space<vmem>>)
        tpu.yield
      }) : () -> ()
      %get3A = arith.constant 0 : i32
      %get3A_68 = arith.index_cast %get3A : i32 to index
      %get3A_69 = arith.constant 0 : index
      %get3A_70 = tpu.vector_load %arg13[%get3A_68, %get3A_69] {strides = array<i32>} : memref<4x64xi32, #tpu.memory_space<vmem>>, vector<16xi32>,
      %gather3A = tpu.vector_load_idx %arg6[%get3A_70] : memref<1024xf32, #tpu.memory_space<vmem>>[vector<16xi32>], vector<16xf32>,
      %get3A_71 = arith.constant 0 : i32
      %get3A_72 = arith.index_cast %get3A_71 : i32 to index
      %get3A_73 = arith.constant 0 : index
      %get3A_74 = tpu.vector_load %arg14[%get3A_72, %get3A_73] {strides = array<i32>} : memref<4x64xf32, #tpu.memory_space<vmem>>, vector<16xf32>,
      %add3A_75 = arith.addf %get3A_74, %gather3A : vector<16xf32>
      %swap3A = arith.constant 0 : i32
      %swap3A_76 = arith.index_cast %swap3A : i32 to index
      %swap3A_77 = arith.constant 0 : index
      %swap3A_78 = tpu.vector_load %arg14[%swap3A_76, %swap3A_77] {strides = array<i32>} : memref<4x64xf32, #tpu.memory_space<vmem>>, vector<16xf32>,
      tpu.vector_store %arg14[%swap3A_76, %swap3A_77], %add3A_75 {strides = array<i32>} : memref<4x64xf32, #tpu.memory_space<vmem>>, vector<16xf32>,
      %get3A_79 = arith.constant 0 : i32
      %get3A_80 = arith.index_cast %get3A_79 : i32 to index
      %get3A_81 = arith.constant 16 : index
      %get3A_82 = tpu.vector_load %arg13[%get3A_80, %get3A_81] {strides = array<i32>} : memref<4x64xi32, #tpu.memory_space<vmem>>, vector<16xi32>,
      %gather3A_83 = tpu.vector_load_idx %arg6[%get3A_82] : memref<1024xf32, #tpu.memory_space<vmem>>[vector<16xi32>], vector<16xf32>,
      %get3A_84 = arith.constant 0 : i32
      %get3A_85 = arith.index_cast %get3A_84 : i32 to index
      %get3A_86 = arith.constant 16 : index
      %get3A_87 = tpu.vector_load %arg14[%get3A_85, %get3A_86] {strides = array<i32>} : memref<4x64xf32, #tpu.memory_space<vmem>>, vector<16xf32>,
      %add3A_88 = arith.addf %get3A_87, %gather3A_83 : vector<16xf32>
      %swap3A_89 = arith.constant 0 : i32
      %swap3A_90 = arith.index_cast %swap3A_89 : i32 to index
      %swap3A_91 = arith.constant 16 : index
      %swap3A_92 = tpu.vector_load %arg14[%swap3A_90, %swap3A_91] {strides = array<i32>} : memref<4x64xf32, #tpu.memory_space<vmem>>, vector<16xf32>,
      tpu.vector_store %arg14[%swap3A_90, %swap3A_91], %add3A_88 {strides = array<i32>} : memref<4x64xf32, #tpu.memory_space<vmem>>, vector<16xf32>,
      %get3A_93 = arith.constant 0 : i32
      %get3A_94 = arith.index_cast %get3A_93 : i32 to index
      %get3A_95 = arith.constant 32 : index
      %get3A_96 = tpu.vector_load %arg13[%get3A_94, %get3A_95] {strides = array<i32>} : memref<4x64xi32, #tpu.memory_space<vmem>>, vector<16xi32>,
      %gather3A_97 = tpu.vector_load_idx %arg6[%get3A_96] : memref<1024xf32, #tpu.memory_space<vmem>>[vector<16xi32>], vector<16xf32>,
      %get3A_98 = arith.constant 0 : i32
      %get3A_99 = arith.index_cast %get3A_98 : i32 to index
      %get3A_100 = arith.constant 32 : index
      %get3A_101 = tpu.vector_load %arg14[%get3A_99, %get3A_100] {strides = array<i32>} : memref<4x64xf32, #tpu.memory_space<vmem>>, vector<16xf32>,
      %add3A_102 = arith.addf %get3A_101, %gather3A_97 : vector<16xf32>
      %swap3A_103 = arith.constant 0 : i32
      %swap3A_104 = arith.index_cast %swap3A_103 : i32 to index
      %swap3A_105 = arith.constant 32 : index
      %swap3A_106 = tpu.vector_load %arg14[%swap3A_104, %swap3A_105] {strides = array<i32>} : memref<4x64xf32, #tpu.memory_space<vmem>>, vector<16xf32>,
      tpu.vector_store %arg14[%swap3A_104, %swap3A_105], %add3A_102 {strides = array<i32>} : memref<4x64xf32, #tpu.memory_space<vmem>>, vector<16xf32>,
      %get3A_107 = arith.constant 0 : i32
      %get3A_108 = arith.index_cast %get3A_107 : i32 to index
      %get3A_109 = arith.constant 48 : index
      %get3A_110 = tpu.vector_load %arg13[%get3A_108, %get3A_109] {strides = array<i32>} : memref<4x64xi32, #tpu.memory_space<vmem>>, vector<16xi32>,
      %gather3A_111 = tpu.vector_load_idx %arg6[%get3A_110] : memref<1024xf32, #tpu.memory_space<vmem>>[vector<16xi32>], vector<16xf32>,
      %get3A_112 = arith.constant 0 : i32
      %get3A_113 = arith.index_cast %get3A_112 : i32 to index
      %get3A_114 = arith.constant 48 : index
      %get3A_115 = tpu.vector_load %arg14[%get3A_113, %get3A_114] {strides = array<i32>} : memref<4x64xf32, #tpu.memory_space<vmem>>, vector<16xf32>,
      %add3A_116 = arith.addf %get3A_115, %gather3A_111 : vector<16xf32>
      %swap3A_117 = arith.constant 0 : i32
      %swap3A_118 = arith.index_cast %swap3A_117 : i32 to index
      %swap3A_119 = arith.constant 48 : index
      %swap3A_120 = tpu.vector_load %arg14[%swap3A_118, %swap3A_119] {strides = array<i32>} : memref<4x64xf32, #tpu.memory_space<vmem>>, vector<16xf32>,
      tpu.vector_store %arg14[%swap3A_118, %swap3A_119], %add3A_116 {strides = array<i32>} : memref<4x64xf32, #tpu.memory_space<vmem>>, vector<16xf32>,
      %get3A_121 = arith.constant 1 : i32
      %get3A_122 = arith.index_cast %get3A_121 : i32 to index
      %get3A_123 = arith.constant 0 : index
      %get3A_124 = tpu.vector_load %arg13[%get3A_122, %get3A_123] {strides = array<i32>} : memref<4x64xi32, #tpu.memory_space<vmem>>, vector<16xi32>,
      %gather3A_125 = tpu.vector_load_idx %arg6[%get3A_124] : memref<1024xf32, #tpu.memory_space<vmem>>[vector<16xi32>], vector<16xf32>,
      %get3A_126 = arith.constant 1 : i32
      %get3A_127 = arith.index_cast %get3A_126 : i32 to index
      %get3A_128 = arith.constant 0 : index
      %get3A_129 = tpu.vector_load %arg14[%get3A_127, %get3A_128] {strides = array<i32>} : memref<4x64xf32, #tpu.memory_space<vmem>>, vector<16xf32>,
      %add3A_130 = arith.addf %get3A_129, %gather3A_125 : vector<16xf32>
      %swap3A_131 = arith.constant 1 : i32
      %swap3A_132 = arith.index_cast %swap3A_131 : i32 to index
      %swap3A_133 = arith.constant 0 : index
      %swap3A_134 = tpu.vector_load %arg14[%swap3A_132, %swap3A_133] {strides = array<i32>} : memref<4x64xf32, #tpu.memory_space<vmem>>, vector<16xf32>,
      tpu.vector_store %arg14[%swap3A_132, %swap3A_133], %add3A_130 {strides = array<i32>} : memref<4x64xf32, #tpu.memory_space<vmem>>, vector<16xf32>,
      %get3A_135 = arith.constant 1 : i32
      %get3A_136 = arith.index_cast %get3A_135 : i32 to index
      %get3A_137 = arith.constant 16 : index
      %get3A_138 = tpu.vector_load %arg13[%get3A_136, %get3A_137] {strides = array<i32>} : memref<4x64xi32, #tpu.memory_space<vmem>>, vector<16xi32>,
      %gather3A_139 = tpu.vector_load_idx %arg6[%get3A_138] : memref<1024xf32, #tpu.memory_space<vmem>>[vector<16xi32>], vector<16xf32>,
      %get3A_140 = arith.constant 1 : i32
      %get3A_141 = arith.index_cast %get3A_140 : i32 to index
      %get3A_142 = arith.constant 16 : index
      %get3A_143 = tpu.vector_load %arg14[%get3A_141, %get3A_142] {strides = array<i32>} : memref<4x64xf32, #tpu.memory_space<vmem>>, vector<16xf32>,
      %add3A_144 = arith.addf %get3A_143, %gather3A_139 : vector<16xf32>
      %swap3A_145 = arith.constant 1 : i32
      %swap3A_146 = arith.index_cast %swap3A_145 : i32 to index
      %swap3A_147 = arith.constant 16 : index
      %swap3A_148 = tpu.vector_load %arg14[%swap3A_146, %swap3A_147] {strides = array<i32>} : memref<4x64xf32, #tpu.memory_space<vmem>>, vector<16xf32>,
      tpu.vector_store %arg14[%swap3A_146, %swap3A_147], %add3A_144 {strides = array<i32>} : memref<4x64xf32, #tpu.memory_space<vmem>>, vector<16xf32>,
      %get3A_149 = arith.constant 1 : i32
      %get3A_150 = arith.index_cast %get3A_149 : i32 to index
      %get3A_151 = arith.constant 32 : index
      %get3A_152 = tpu.vector_load %arg13[%get3A_150, %get3A_151] {strides = array<i32>} : memref<4x64xi32, #tpu.memory_space<vmem>>, vector<16xi32>,
      %gather3A_153 = tpu.vector_load_idx %arg6[%get3A_152] : memref<1024xf32, #tpu.memory_space<vmem>>[vector<16xi32>], vector<16xf32>,
      %get3A_154 = arith.constant 1 : i32
      %get3A_155 = arith.index_cast %get3A_154 : i32 to index
      %get3A_156 = arith.constant 32 : index
      %get3A_157 = tpu.vector_load %arg14[%get3A_155, %get3A_156] {strides = array<i32>} : memref<4x64xf32, #tpu.memory_space<vmem>>, vector<16xf32>,
      %add3A_158 = arith.addf %get3A_157, %gather3A_153 : vector<16xf32>
      %swap3A_159 = arith.constant 1 : i32
      %swap3A_160 = arith.index_cast %swap3A_159 : i32 to index
      %swap3A_161 = arith.constant 32 : index
      %swap3A_162 = tpu.vector_load %arg14[%swap3A_160, %swap3A_161] {strides = array<i32>} : memref<4x64xf32, #tpu.memory_space<vmem>>, vector<16xf32>,
      tpu.vector_store %arg14[%swap3A_160, %swap3A_161], %add3A_158 {strides = array<i32>} : memref<4x64xf32, #tpu.memory_space<vmem>>, vector<16xf32>,
      %get3A_163 = arith.constant 1 : i32
      %get3A_164 = arith.index_cast %get3A_163 : i32 to index
      %get3A_165 = arith.constant 48 : index
      %get3A_166 = tpu.vector_load %arg13[%get3A_164, %get3A_165] {strides = array<i32>} : memref<4x64xi32, #tpu.memory_space<vmem>>, vector<16xi32>,
      %gather3A_167 = tpu.vector_load_idx %arg6[%get3A_166] : memref<1024xf32, #tpu.memory_space<vmem>>[vector<16xi32>], vector<16xf32>,
      %get3A_168 = arith.constant 1 : i32
      %get3A_169 = arith.index_cast %get3A_168 : i32 to index
      %get3A_170 = arith.constant 48 : index
      %get3A_171 = tpu.vector_load %arg14[%get3A_169, %get3A_170] {strides = array<i32>} : memref<4x64xf32, #tpu.memory_space<vmem>>, vector<16xf32>,
      %add3A_172 = arith.addf %get3A_171, %gather3A_167 : vector<16xf32>
      %swap3A_173 = arith.constant 1 : i32
      %swap3A_174 = arith.index_cast %swap3A_173 : i32 to index
      %swap3A_175 = arith.constant 48 : index
      %swap3A_176 = tpu.vector_load %arg14[%swap3A_174, %swap3A_175] {strides = array<i32>} : memref<4x64xf32, #tpu.memory_space<vmem>>, vector<16xf32>,
      tpu.vector_store %arg14[%swap3A_174, %swap3A_175], %add3A_172 {strides = array<i32>} : memref<4x64xf32, #tpu.memory_space<vmem>>, vector<16xf32>,
      %get3A_177 = arith.constant 2 : i32
      %get3A_178 = arith.index_cast %get3A_177 : i32 to index
      %get3A_179 = arith.constant 0 : index
      %get3A_180 = tpu.vector_load %arg13[%get3A_178, %get3A_179] {strides = array<i32>} : memref<4x64xi32, #tpu.memory_space<vmem>>, vector<16xi32>,
      %gather3A_181 = tpu.vector_load_idx %arg6[%get3A_180] : memref<1024xf32, #tpu.memory_space<vmem>>[vector<16xi32>], vector<16xf32>,
      %get3A_182 = arith.constant 2 : i32
      %get3A_183 = arith.index_cast %get3A_182 : i32 to index
      %get3A_184 = arith.constant 0 : index
      %get3A_185 = tpu.vector_load %arg14[%get3A_183, %get3A_184] {strides = array<i32>} : memref<4x64xf32, #tpu.memory_space<vmem>>, vector<16xf32>,
      %add3A_186 = arith.addf %get3A_185, %gather3A_181 : vector<16xf32>
      %swap3A_187 = arith.constant 2 : i32
      %swap3A_188 = arith.index_cast %swap3A_187 : i32 to index
      %swap3A_189 = arith.constant 0 : index
      %swap3A_190 = tpu.vector_load %arg14[%swap3A_188, %swap3A_189] {strides = array<i32>} : memref<4x64xf32, #tpu.memory_space<vmem>>, vector<16xf32>,
      tpu.vector_store %arg14[%swap3A_188, %swap3A_189], %add3A_186 {strides = array<i32>} : memref<4x64xf32, #tpu.memory_space<vmem>>, vector<16xf32>,
      %get3A_191 = arith.constant 2 : i32
      %get3A_192 = arith.index_cast %get3A_191 : i32 to index
      %get3A_193 = arith.constant 16 : index
      %get3A_194 = tpu.vector_load %arg13[%get3A_192, %get3A_193] {strides = array<i32>} : memref<4x64xi32, #tpu.memory_space<vmem>>, vector<16xi32>,
      %gather3A_195 = tpu.vector_load_idx %arg6[%get3A_194] : memref<1024xf32, #tpu.memory_space<vmem>>[vector<16xi32>], vector<16xf32>,
      %get3A_196 = arith.constant 2 : i32
      %get3A_197 = arith.index_cast %get3A_196 : i32 to index
      %get3A_198 = arith.constant 16 : index
      %get3A_199 = tpu.vector_load %arg14[%get3A_197, %get3A_198] {strides = array<i32>} : memref<4x64xf32, #tpu.memory_space<vmem>>, vector<16xf32>,
      %add3A_200 = arith.addf %get3A_199, %gather3A_195 : vector<16xf32>
      %swap3A_201 = arith.constant 2 : i32
      %swap3A_202 = arith.index_cast %swap3A_201 : i32 to index
      %swap3A_203 = arith.constant 16 : index
      %swap3A_204 = tpu.vector_load %arg14[%swap3A_202, %swap3A_203] {strides = array<i32>} : memref<4x64xf32, #tpu.memory_space<vmem>>, vector<16xf32>,
      tpu.vector_store %arg14[%swap3A_202, %swap3A_203], %add3A_200 {strides = array<i32>} : memref<4x64xf32, #tpu.memory_space<vmem>>, vector<16xf32>,
      %get3A_205 = arith.constant 2 : i32
      %get3A_206 = arith.index_cast %get3A_205 : i32 to index
      %get3A_207 = arith.constant 32 : index
      %get3A_208 = tpu.vector_load %arg13[%get3A_206, %get3A_207] {strides = array<i32>} : memref<4x64xi32, #tpu.memory_space<vmem>>, vector<16xi32>,
      %gather3A_209 = tpu.vector_load_idx %arg6[%get3A_208] : memref<1024xf32, #tpu.memory_space<vmem>>[vector<16xi32>], vector<16xf32>,
      %get3A_210 = arith.constant 2 : i32
      %get3A_211 = arith.index_cast %get3A_210 : i32 to index
      %get3A_212 = arith.constant 32 : index
      %get3A_213 = tpu.vector_load %arg14[%get3A_211, %get3A_212] {strides = array<i32>} : memref<4x64xf32, #tpu.memory_space<vmem>>, vector<16xf32>,
      %add3A_214 = arith.addf %get3A_213, %gather3A_209 : vector<16xf32>
      %swap3A_215 = arith.constant 2 : i32
      %swap3A_216 = arith.index_cast %swap3A_215 : i32 to index
      %swap3A_217 = arith.constant 32 : index
      %swap3A_218 = tpu.vector_load %arg14[%swap3A_216, %swap3A_217] {strides = array<i32>} : memref<4x64xf32, #tpu.memory_space<vmem>>, vector<16xf32>,
      tpu.vector_store %arg14[%swap3A_216, %swap3A_217], %add3A_214 {strides = array<i32>} : memref<4x64xf32, #tpu.memory_space<vmem>>, vector<16xf32>,
      %get3A_219 = arith.constant 2 : i32
      %get3A_220 = arith.index_cast %get3A_219 : i32 to index
      %get3A_221 = arith.constant 48 : index
      %get3A_222 = tpu.vector_load %arg13[%get3A_220, %get3A_221] {strides = array<i32>} : memref<4x64xi32, #tpu.memory_space<vmem>>, vector<16xi32>,
      %gather3A_223 = tpu.vector_load_idx %arg6[%get3A_222] : memref<1024xf32, #tpu.memory_space<vmem>>[vector<16xi32>], vector<16xf32>,
      %get3A_224 = arith.constant 2 : i32
      %get3A_225 = arith.index_cast %get3A_224 : i32 to index
      %get3A_226 = arith.constant 48 : index
      %get3A_227 = tpu.vector_load %arg14[%get3A_225, %get3A_226] {strides = array<i32>} : memref<4x64xf32, #tpu.memory_space<vmem>>, vector<16xf32>,
      %add3A_228 = arith.addf %get3A_227, %gather3A_223 : vector<16xf32>
      %swap3A_229 = arith.constant 2 : i32
      %swap3A_230 = arith.index_cast %swap3A_229 : i32 to index
      %swap3A_231 = arith.constant 48 : index
      %swap3A_232 = tpu.vector_load %arg14[%swap3A_230, %swap3A_231] {strides = array<i32>} : memref<4x64xf32, #tpu.memory_space<vmem>>, vector<16xf32>,
      tpu.vector_store %arg14[%swap3A_230, %swap3A_231], %add3A_228 {strides = array<i32>} : memref<4x64xf32, #tpu.memory_space<vmem>>, vector<16xf32>,
      %get3A_233 = arith.constant 3 : i32
      %get3A_234 = arith.index_cast %get3A_233 : i32 to index
      %get3A_235 = arith.constant 0 : index
      %get3A_236 = tpu.vector_load %arg13[%get3A_234, %get3A_235] {strides = array<i32>} : memref<4x64xi32, #tpu.memory_space<vmem>>, vector<16xi32>,
      %gather3A_237 = tpu.vector_load_idx %arg6[%get3A_236] : memref<1024xf32, #tpu.memory_space<vmem>>[vector<16xi32>], vector<16xf32>,
      %get3A_238 = arith.constant 3 : i32
      %get3A_239 = arith.index_cast %get3A_238 : i32 to index
      %get3A_240 = arith.constant 0 : index
      %get3A_241 = tpu.vector_load %arg14[%get3A_239, %get3A_240] {strides = array<i32>} : memref<4x64xf32, #tpu.memory_space<vmem>>, vector<16xf32>,
      %add3A_242 = arith.addf %get3A_241, %gather3A_237 : vector<16xf32>
      %swap3A_243 = arith.constant 3 : i32
      %swap3A_244 = arith.index_cast %swap3A_243 : i32 to index
      %swap3A_245 = arith.constant 0 : index
      %swap3A_246 = tpu.vector_load %arg14[%swap3A_244, %swap3A_245] {strides = array<i32>} : memref<4x64xf32, #tpu.memory_space<vmem>>, vector<16xf32>,
      tpu.vector_store %arg14[%swap3A_244, %swap3A_245], %add3A_242 {strides = array<i32>} : memref<4x64xf32, #tpu.memory_space<vmem>>, vector<16xf32>,
      %get3A_247 = arith.constant 3 : i32
      %get3A_248 = arith.index_cast %get3A_247 : i32 to index
      %get3A_249 = arith.constant 16 : index
      %get3A_250 = tpu.vector_load %arg13[%get3A_248, %get3A_249] {strides = array<i32>} : memref<4x64xi32, #tpu.memory_space<vmem>>, vector<16xi32>,
      %gather3A_251 = tpu.vector_load_idx %arg6[%get3A_250] : memref<1024xf32, #tpu.memory_space<vmem>>[vector<16xi32>], vector<16xf32>,
      %get3A_252 = arith.constant 3 : i32
      %get3A_253 = arith.index_cast %get3A_252 : i32 to index
      %get3A_254 = arith.constant 16 : index
      %get3A_255 = tpu.vector_load %arg14[%get3A_253, %get3A_254] {strides = array<i32>} : memref<4x64xf32, #tpu.memory_space<vmem>>, vector<16xf32>,
      %add3A_256 = arith.addf %get3A_255, %gather3A_251 : vector<16xf32>
      %swap3A_257 = arith.constant 3 : i32
      %swap3A_258 = arith.index_cast %swap3A_257 : i32 to index
      %swap3A_259 = arith.constant 16 : index
      %swap3A_260 = tpu.vector_load %arg14[%swap3A_258, %swap3A_259] {strides = array<i32>} : memref<4x64xf32, #tpu.memory_space<vmem>>, vector<16xf32>,
      tpu.vector_store %arg14[%swap3A_258, %swap3A_259], %add3A_256 {strides = array<i32>} : memref<4x64xf32, #tpu.memory_space<vmem>>, vector<16xf32>,
      %get3A_261 = arith.constant 3 : i32
      %get3A_262 = arith.index_cast %get3A_261 : i32 to index
      %get3A_263 = arith.constant 32 : index
      %get3A_264 = tpu.vector_load %arg13[%get3A_262, %get3A_263] {strides = array<i32>} : memref<4x64xi32, #tpu.memory_space<vmem>>, vector<16xi32>,
      %gather3A_265 = tpu.vector_load_idx %arg6[%get3A_264] : memref<1024xf32, #tpu.memory_space<vmem>>[vector<16xi32>], vector<16xf32>,
      %get3A_266 = arith.constant 3 : i32
      %get3A_267 = arith.index_cast %get3A_266 : i32 to index
      %get3A_268 = arith.constant 32 : index
      %get3A_269 = tpu.vector_load %arg14[%get3A_267, %get3A_268] {strides = array<i32>} : memref<4x64xf32, #tpu.memory_space<vmem>>, vector<16xf32>,
      %add3A_270 = arith.addf %get3A_269, %gather3A_265 : vector<16xf32>
      %swap3A_271 = arith.constant 3 : i32
      %swap3A_272 = arith.index_cast %swap3A_271 : i32 to index
      %swap3A_273 = arith.constant 32 : index
      %swap3A_274 = tpu.vector_load %arg14[%swap3A_272, %swap3A_273] {strides = array<i32>} : memref<4x64xf32, #tpu.memory_space<vmem>>, vector<16xf32>,
      tpu.vector_store %arg14[%swap3A_272, %swap3A_273], %add3A_270 {strides = array<i32>} : memref<4x64xf32, #tpu.memory_space<vmem>>, vector<16xf32>,
      %get3A_275 = arith.constant 3 : i32
      %get3A_276 = arith.index_cast %get3A_275 : i32 to index
      %get3A_277 = arith.constant 48 : index
      %get3A_278 = tpu.vector_load %arg13[%get3A_276, %get3A_277] {strides = array<i32>} : memref<4x64xi32, #tpu.memory_space<vmem>>, vector<16xi32>,
      %gather3A_279 = tpu.vector_load_idx %arg6[%get3A_278] : memref<1024xf32, #tpu.memory_space<vmem>>[vector<16xi32>], vector<16xf32>,
      %get3A_280 = arith.constant 3 : i32
      %get3A_281 = arith.index_cast %get3A_280 : i32 to index
      %get3A_282 = arith.constant 48 : index
      %get3A_283 = tpu.vector_load %arg14[%get3A_281, %get3A_282] {strides = array<i32>} : memref<4x64xf32, #tpu.memory_space<vmem>>, vector<16xf32>,
      %add3A_284 = arith.addf %get3A_283, %gather3A_279 : vector<16xf32>
      %swap3A_285 = arith.constant 3 : i32
      %swap3A_286 = arith.index_cast %swap3A_285 : i32 to index
      %swap3A_287 = arith.constant 48 : index
      %swap3A_288 = tpu.vector_load %arg14[%swap3A_286, %swap3A_287] {strides = array<i32>} : memref<4x64xf32, #tpu.memory_space<vmem>>, vector<16xf32>,
      tpu.vector_store %arg14[%swap3A_286, %swap3A_287], %add3A_284 {strides = array<i32>} : memref<4x64xf32, #tpu.memory_space<vmem>>, vector<16xf32>,
      "tpu.region"() ({
        %run_scoped3A = tpu.sem_alloc : memref<!tpu.dma_semaphore, #tpu.memory_space<semaphore_mem>>
        %dma_start3A_289 = arith.constant 0 : i32
        %dma_start3A_290 = arith.constant 999936 : i32
        %dma_start3A_291 = tpu.memref_slice %arg5[%dma_start3A_289, %dma_start3A_290] : memref<4x1000000xf32, #tpu.memory_space<hbm>> -> memref<4x64xf32, #tpu.memory_space<hbm>>
        %dma_start3A_292 = arith.constant 0 : i32
        %dma_start3A_293 = arith.constant 999936 : i32
        %dma_start3A_294 = tpu.memref_slice %arg5[%dma_start3A_292, %dma_start3A_293] : memref<4x1000000xf32, #tpu.memory_space<hbm>> -> memref<4x64xf32, #tpu.memory_space<hbm>>
        tpu.enqueue_dma source(%arg14 : memref<4x64xf32, #tpu.memory_space<vmem>>) target(%dma_start3A_294 : memref<4x64xf32, #tpu.memory_space<hbm>>) target_semaphore(%run_scoped3A : memref<!tpu.dma_semaphore, #tpu.memory_space<semaphore_mem>>)
        %dma_wait3A_295 = arith.constant 0 : i32
        %dma_wait3A_296 = arith.constant 999936 : i32
        %dma_wait3A_297 = tpu.memref_slice %arg5[%dma_wait3A_295, %dma_wait3A_296] : memref<4x1000000xf32, #tpu.memory_space<hbm>> -> memref<4x64xf32, #tpu.memory_space<hbm>>
        %dma_wait3A_298 = arith.constant 0 : i32
        %dma_wait3A_299 = arith.constant 999936 : i32
        %dma_wait3A_300 = tpu.memref_slice %arg5[%dma_wait3A_298, %dma_wait3A_299] : memref<4x1000000xf32, #tpu.memory_space<hbm>> -> memref<4x64xf32, #tpu.memory_space<hbm>>
        tpu.wait_dma2 semaphore(%run_scoped3A : memref<!tpu.dma_semaphore, #tpu.memory_space<semaphore_mem>>) src(%arg14 : memref<4x64xf32, #tpu.memory_space<vmem>>) dst(%dma_wait3A_300 : memref<4x64xf32, #tpu.memory_space<hbm>>)
        tpu.yield
      }) : () -> ()
    } else {
    }
    return
  }
}

</mosaic_0001>

<sc_bundles>
// kernel: kernel.3.cloned.1.call-start
scs
__scs_entry_jumppad:
0x0: {  	(pc) =	sbr.rel $0x88, $3  }
0x1: {  	(tag) =	ssettag $0x0;
	lr =	simm.s32 $0x1  }
0x2: {  	[smem:$0x3F9E] =	sst lr;
	_ =	strace $0xD0000000  }
0x3: {  	_ = 	snop  }
0x4: {  	_ = 	snop  }
0x5: {  	_ = 	snop  }
0x6: {  	_ = 	snop  }
0x7: {  	_ = 	snop  }
__scs_overlays_trampoline_lowered:
0x8: {  	[smem:$0x3FAD] =	sst s0  }
0x9: {  	[smem:$0x3FAE] =	sst s1  }
0xa: {  	[smem:$0x3FAF] =	sst s2  }
0xb: {  	[smem:$0x3FB0] =	sst s3  }
0xc: {  	[smem:$0x3FB1] =	sst s4  }
0xd: {  	[smem:$0x3FB2] =	sst s5  }
0xe: {  	[smem:$0x3FB3] =	sst s6  }
0xf: {  	[smem:$0x3FB4] =	sst s7  }
0x10: {  	[smem:$0x3FB5] =	sst s8  }
0x11: {  	[smem:$0x3FB6] =	sst s9;
	s0 =	simm.s32 @!p0 $0x0  }
0x12: {  	s1 =	sld [smem:$0x3F9C];
	s0 =	simm.s32 @p0 $0x1  }
0x13: {  	[smem:$0x3FB7] =	sst s0;
	s0 =	simm.s32 @!p1 $0x0  }
0x14: {  	s2 =	sld [smem:$0x3F9B];
	s0 =	simm.s32 @p1 $0x1  }
0x15: {  	[smem:$0x3FB8] =	sst s0;
	s0 =	simm.s32 @!p2 $0x0  }
0x16: {  	s3 =	sld [smem:$0x3FDB];
	s0 =	simm.s32 @p2 $0x1  }
0x17: {  	s4 =	simm.s32 $0x1BF5;
	[smem:$0x3FBA] =	sst s0  }
0x18: {  	s0 =	sld [smem:$0x3F9D];
	_ =	swait.ge [sflag:s4], $0x0  }
0x19: {  	s7 =	sld [smem:$0x3F9E]  }
0x1a: {  	s8 =	sadd.s32 $0xFFFFE003, lr  }
0x1b: {  	s9 =	sadd.s32 $0xFFFFFEF7, lr;
	s5 =	simm.s32 $0xFFFFFFFF;
	p2 =	slt.u32 s8, $0xFFFFF086  }
0x1c: {  	p1 =	slt.u32 s9, $0xF7A;
	s5 =	simm.s32 @!p2 $0x0  }
0x1d: {  	s5 =	simm.s32 @p1 $0x1;
	p0 =	seq.s32 s7, s2  }
0x1e: {  	s7 =	smul.u32 @!p0 $0xF7A, s2;
	p2 =	seq.s32 @!p0 s5, $0x0  }
0x1f: {  	s9 =	smul.u32 $0xF7A, s1;
	s8 =	simm.s32 @!p0 $0x1BF5;
	p2 =	por !p2, p0  }
0x20: {  	[sflag:s8] =	ssyncset.s32 @!p0 $0xFFFFF086;
	s6 =	sadd.s32 @!p0 s3, s7;
	s7 =	simm.s32 @!p0 $0x108  }
0x21: {  	s3 =	sadd.s32 s3, s9;
	s6 =	sadd.s32 @!p0 $0x88, s6;
	s7 =	simm.s32 @p2 $0x1082  }
0x22: {  	[simem:s7], [sflag:s8] =	dma.local @!p0 [hbm:s6], $0xF7A  }
0x23: {  	s9 =	sor.u32 $0xD0000000, s2;
	s6 =	simm.s32 $0x108;
	_ =	swait.ge @!p0 [sflag:s8], $0x0  }
0x24: {  	s3 =	sadd.s32 $0x88, s3;
	s6 =	simm.s32 @!p1 $0x1082;
	[sflag:s4] =	ssyncset.s32 $0xFFFFF086  }
0x25: {  	[simem:s6], [sflag:s4] =	dma.local [hbm:s3], $0xF7A  }
0x26: {  	[smem:$0x3F9E] =	sst s1;
	(tag) =	ssettag s2;
	_ =	strace s9  }
0x27: {  	s1 =	sld [smem:$0x3FAE]  }
0x28: {  	s2 =	sld [smem:$0x3FAF]  }
0x29: {  	s4 =	sld [smem:$0x3FB1]  }
0x2a: {  	p0 =	seq.s32 s5, $0x0;
	s5 =	sld [smem:$0x3FB2]  }
0x2b: {  	s6 =	sld [smem:$0x3FB3]  }
0x2c: {  	s7 =	sld [smem:$0x3FB4]  }
0x2d: {  	s3 =	simm.s32 $0x108;
	s8 =	sld [smem:$0x3FB5]  }
0x2e: {  	s3 =	simm.s32 @!p0 $0x1082;
	s9 =	sld [smem:$0x3FB6]  }
0x2f: {  	lr =	sadd.s32 s0, s3;
	s0 =	sld [smem:$0x3FAD]  }
0x30: {  	s3 =	sld [smem:$0x3FB0]  }
0x31: {  	[smem:$0x3FB9] =	sst s10  }
0x32: {  	s10 =	sld [smem:$0x3FB7];
	_ =	sdelay $0x3  }
0x33: {  	p0 =	seq.s32 s10, $0x1;
	s10 =	sld [smem:$0x3FB9];
	_ =	sdelay $0x3  }
0x34: {  	[smem:$0x3FB9] =	sst s10  }
0x35: {  	s10 =	sld [smem:$0x3FB8];
	_ =	sdelay $0x3  }
0x36: {  	p1 =	seq.s32 s10, $0x1;
	s10 =	sld [smem:$0x3FB9];
	_ =	sdelay $0x3  }
0x37: {  	[smem:$0x3FB9] =	sst s10  }
0x38: {  	s10 =	sld [smem:$0x3FBA]  }
0x39: {  	_ = 	snop;
	(pc) =	sbr.ind lr, $3  }
0x3a: {  	_ = 	snop  }
0x3b: {  	_ = 	snop  }
0x3c: {  	p2 =	seq.s32 s10, $0x1;
	s10 =	sld [smem:$0x3FB9]  }
0x3d: {  	_ =	shalt  }
0x3e: {  	_ =	shalt  }
0x3f: {  	_ =	shalt  }
0x40: {  	_ =	shalt  }
0x41: {  	_ =	shalt  }
0x42: {  	_ =	shalt  }
0x43: {  	_ =	shalt  }
0x44: {  	_ =	shalt  }
0x45: {  	_ =	shalt  }
0x46: {  	_ =	shalt  }
0x47: {  	_ =	shalt  }
0x48: {  	_ =	shalt  }
0x49: {  	_ =	shalt  }
0x4a: {  	_ =	shalt  }
0x4b: {  	_ =	shalt  }
0x4c: {  	_ =	shalt  }
0x4d: {  	_ =	shalt  }
0x4e: {  	_ =	shalt  }
0x4f: {  	_ =	shalt  }
0x50: {  	_ =	shalt  }
0x51: {  	_ =	shalt  }
0x52: {  	_ =	shalt  }
0x53: {  	_ =	shalt  }
0x54: {  	_ =	shalt  }
0x55: {  	_ =	shalt  }
0x56: {  	_ =	shalt  }
0x57: {  	_ =	shalt  }
0x58: {  	_ =	shalt  }
0x59: {  	_ =	shalt  }
0x5a: {  	_ =	shalt  }
0x5b: {  	_ =	shalt  }
0x5c: {  	_ =	shalt  }
0x5d: {  	_ =	shalt  }
0x5e: {  	_ =	shalt  }
0x5f: {  	_ =	shalt  }
0x60: {  	_ =	shalt  }
0x61: {  	_ =	shalt  }
0x62: {  	_ =	shalt  }
0x63: {  	_ =	shalt  }
0x64: {  	_ =	shalt  }
0x65: {  	_ =	shalt  }
0x66: {  	_ =	shalt  }
0x67: {  	_ =	shalt  }
0x68: {  	_ =	shalt  }
0x69: {  	_ =	shalt  }
0x6a: {  	_ =	shalt  }
0x6b: {  	_ =	shalt  }
0x6c: {  	_ =	shalt  }
0x6d: {  	_ =	shalt  }
0x6e: {  	_ =	shalt  }
0x6f: {  	_ =	shalt  }
0x70: {  	_ =	shalt  }
0x71: {  	_ =	shalt  }
0x72: {  	_ =	shalt  }
0x73: {  	_ =	shalt  }
0x74: {  	_ =	shalt  }
0x75: {  	_ =	shalt  }
0x76: {  	_ =	shalt  }
0x77: {  	_ =	shalt  }
0x78: {  	_ =	shalt  }
0x79: {  	_ =	shalt  }
0x7a: {  	_ =	shalt  }
0x7b: {  	_ =	shalt  }
0x7c: {  	_ =	shalt  }
0x7d: {  	_ =	shalt  }
0x7e: {  	_ =	shalt  }
0x7f: {  	_ =	shalt  }
0x80: {  	_ =	shalt  }
0x81: {  	_ =	shalt  }
0x82: {  	_ =	shalt  }
0x83: {  	_ =	shalt  }
0x84: {  	_ =	shalt  }
0x85: {  	_ =	shalt  }
0x86: {  	_ =	shalt  }
0x87: {  	_ =	shalt  }
.Lfunc_end0:
.L_simem_size_0:
called_computation_lowered:
.L_overlay_start_0:
0x88: {  	s2 =	sld [smem:$0x3FD9]  }
0x89: {  	s3 =	sld [smem:$0x3FFE];
	_ =	sdelay $0x1  }
0x8a: {  	s1 =	srdreg.scid  }
0x8b: {  	s0 =	sand.u32 $0x1, s1  }
0x8c: {  	s18 =	sshll.u32 s0, $0xA;
	s2 =	sadd.s32 s3, s2  }
0x8d: {  	s2 =	sadd.s32 s2, s18  }
0x8e: {  	[smem:$0x3FC5] =	sst s2  }
0x8f: {  	_ = 	snop  }
0x90: {  	s2 =	sld [smem:$0x3FC9]  }
0x91: {  	s19 =	sld [smem:$0x3FC8]  }
0x92: {  	s4 =	sld [smem:$0x3FC7]  }
0x93: {  	s5 =	sld [smem:$0x3FD0];
	(tm) =	ssettm $0x1  }
0x94: {  	s6 =	sld [smem:$0x3FFB];
	_ =	sdelay $0x3  }
0x95: {  	_ =	strace s6  }
0x96: {  	s6 =	sld [smem:$0x3FFC];
	_ =	sdelay $0x3  }
0x97: {  	_ =	strace s6  }
0x98: {  	s6 =	sld [smem:$0x3FFD];
	_ =	sdelay $0x3  }
0x99: {  	_ =	strace s6  }
0x9a: {  	_ =	strace $0x8FFFFFFF  }
0x9b: {  	s20 =	sld [smem:$0x3FDB];
	_ =	sdelay $0x1  }
0x9c: {  	s7 =	simm.s32 $_scs_section_size  }
0x9d: {  	s8 =	simm.s32 $_size__tile_overlayer_lowered;
	s9 =	simm.s32 $_tile_overlayer_lowered  }
0x9e: {  	s23 =	simm.s32 $0x1BFF;
	s22 =	sshll.u32 s9, $0x1;
	s6 =	sadd.s32 s7, s20  }
0x9f: {  	s10 =	simm.s32 $0x0;
	s21 =	sshll.u32 s8, $0x1;
	s8 =	sadd.s32 s22, s6  }
0xa0: {  	[timem:s10], [sflag:s23] =	dma.local [hbm:s8], s21  }
0xa1: {  	_ =	swait.ge [sflag:s23], s21  }
0xa2: {  	s7 =	ssub.s32 $0x0, s21;
	[sflag:s23] =	ssyncset.done $0x0  }
0xa3: {  	[sflag:s23] =	ssyncadd.s32 s7;
	_ =	sdelay $0x1  }
0xa4: {  	s24 =	simm.s32 $0x1B8B  }
0xa5: {  	_ =	swait.ge [sflag:s24], $0x1  }
0xa6: {  	[sflag:s24] =	ssyncset.done $0x0  }
0xa7: {  	s25 =	simm.s32 $0x1B8E;
	[sflag:s24] =	ssyncadd.s32 $0xFFFFFFFF  }
0xa8: {  	s26 =	simm.s32 $execute0_lowered;
	[smem:$0x3FD2] =	sst s25  }
0xa9: {  	s7 =	sshll.u32 s26, $0x1;
	_ =	strace $0x80000046;
	[dreg:$0x1] =	wrdreg $0xFFFFFFFF  }
0xaa: {  	s28 =	simm.s32 $_size_execute0_lowered;
	s6 =	sadd.s32 s6, s7;
	[dreg:$0x0] =	wrdreg $0x0  }
0xab: {  	s7 =	sshll.u32 s28, $0x1;
	[dreg:$0x2] =	wrdreg s6  }
0xac: {  	[dreg:$0x3] =	wrdreg s7  }
0xad: {  	[dreg:$0x4] =	wrdreg $0xC0  }
0xae: {  	_ =	task [dreg:s10], $0x5FFFF  }
0xaf: {  	[dreg:$0x1] =	wrdreg $0xFFFFFFFF  }
0xb0: {  	[dreg:$0x0] =	wrdreg $0x60  }
0xb1: {  	[dreg:$0x2] =	wrdreg s2  }
0xb2: {  	[dreg:$0x3] =	wrdreg s19  }
0xb3: {  	[dreg:$0x4] =	wrdreg s4  }
0xb4: {  	[dreg:$0x5] =	wrdreg s5  }
0xb5: {  	[dreg:$0x6] =	wrdreg $0x9  }
0xb6: {  	_ =	task.clear_ibuf [dreg:s10], $0x7FFFF;
	_ =	strace $0x90000046  }
0xb7: {  	s29 =	simm.s32 $0x9;
	_ =	strace $0x80000048  }
0xb8: {  	_ =	swait.ge [sflag:s29], $0x1  }
0xb9: {  	[sflag:s29] =	ssyncadd.s32 $0xFFFFFFFF  }
0xba: {  	_ =	strace $0x90000048  }
0xbb: {  	_ =	sfence  }
0xbc: {  	s30 =	sld [smem:$0x0];
	_ =	sdelay $0x2  }
0xbd: {  	s31 =	sshll.u32 s1, $0xD;
	s1 =	sshrl.u32 s1, $0x2  }
0xbe: {  	s3 =	sand.u32 $0x4000, s31;
	s1 =	sadd.s32 s1, s30  }
0xbf: {  	s0 =	sor.u32 s3, s0;
	s1 =	sshll.u32 s1, $0x11  }
0xc0: {  	s0 =	sor.u32 s1, s0  }
0xc1: {  	s0 =	sadd.s32 $0x8F2B, s0  }
0xc2: {  	[sflag:s0] =	ssyncadd.remote.s32 $0x1  }
0xc3: {  	_ =	sfence.sel $0xFFFF  }
0xc4: {  	[dreg:$0x0] =	wrdreg $0xFFFFFFFF;
	(pc) =	sbr.abs _section_cstart, $3  }
0xc5: {  	[dreg:$0x1] =	wrdreg $0xFFFFFFFF  }
0xc6: {  	_ =	task.clear_ibuf [dreg:s10], $0x2FFFF;
	_ =	strace $0x9FFFFFFF  }
0xc7: {  	(tm) =	ssettm $0x7FFFFFFF  }
tec
execute0_lowered:
.L_overlay_start_1:
0x0: {  	(tag) =	ssettag $0x1  }
0x1: {  	s1 =	rddreg [dreg:$0x0]  }
0x2: {  	s2 =	rddreg [dreg:$0x1]  }
0x3: {  	s0 =	srdreg.scid;
	s3 =	stileid.u32  }
0x4: {  	s5 =	rddreg [dreg:$0x3];
	s6 =	simm.s32 $0x0;
	s21 =	simm.s32 $0x5  }
0x5: {  	s22 =	simm.s32 $0x2;
	s23 =	simm.s32 $0x11C00;
	s24 =	simm.s32 $0x3  }
0x6: {  	s25 =	simm.s32 $0x4;
	s28 =	simm.s32 $0x6;
	s29 =	simm.s32 $0x15600  }
0x7: {  	s30 =	simm.s32 $0x1;
	s0 =	sand.u32 $0x1, s0;
	s3 =	sshll.u32 s3, $0x1  }
0x8: {  	s31 =	simm.s32 $0xE400;
	[smem:$0x7FF] =	sst s6;
	s7 =	sor.u32 s0, s3  }
0x9: {  	s13 =	sadd.s32 $0x7A100, s2;
	s14 =	sadd.s32 $0x7A100, s1;
	s3 =	smul.u32 $0x3800, s7  }
0xa: {  	s15 =	sadd.s32 $0x7A100, s5;
	s0 =	ssub.s32 $0x2, s0;
	s10 =	smul.u32 $0x700, s7  }
.Ltmp0:
0xb: {  	_ =	strace $0x80000047;
	s4 =	sshrl.u32 s0, $0x1;
	(pc) =	sbr.rel .LBB2_1-.Ltmp0, $4  }
0xc: {  	s8 =	ssub.s32 $0x136, s7;
	p0 =	sne.s32 s7, $0x1F;
	s0 =	ssub.s32 s0, s4  }
0xd: {  	s8 =	sshrl.u32 s8, $0x5;
	s3 =	sshrl.u32 s3, $0x3;
	s9 =	sadd.s32 s2, s10  }
0xe: {  	s10 =	sadd.s32 s1, s10;
	s16 =	smax.u32 s0, $0x1;
	s3 =	sadd.s32 $0xE000, s3  }
0xf: {  	s11 =	sadd.s32 s2, s3;
	s12 =	sadd.s32 s1, s3;
	s3 =	simm.s32 $0x0  }
.LBB2_12:
0x10: {  	s3 =	sadd.s32 $0x1, s3  }
0x11: {  	p1 =	sne.s32 s3, s16  }
.Ltmp1:
0x12: {  	_ = 	snop;
	(pc) =	sbr.rel @!p1 .LBB2_13-.Ltmp1, $1  }
0x13: {  	_ =	sdelay $0x3  }
.LBB2_1:
0x14: {  	s0 =	rddreg [dreg:$0x2]  }
0x15: {  	[tilespmem:s6], [sflag:$0x5] =	stream.linear.gather [hbm4b:s0+s6], $0x400, $0x38;
	[tilespmem:$0x15800] =	vst v63  }
0x16: {  	s18 =	simm.s32 $0x400  }
0x17: {  	[tilespmem:s18], [sflag:$0x1] =	stream.linear.gather [hbm4b:s9+s6], $0x3800, $0x38;
	[tilespmem:$0x15800] =	vst v63  }
0x18: {  	s19 =	simm.s32 $0x3C00  }
0x19: {  	[tilespmem:s19], [sflag:$0x1] =	stream.linear.gather [hbm4b:s10+s6], $0x3800, $0x38;
	[tilespmem:$0x15800] =	vst v63  }
0x1a: {  	s20 =	simm.s32 $0x7400  }
0x1b: {  	[tilespmem:s20], [sflag:$0x2] =	stream.linear.gather [hbm4b:s11+s6], $0x3800, $0x38;
	[tilespmem:$0x15800] =	vst v63  }
.Ltmp2:
0x1c: {  	s26 =	simm.s32 $0xAC00;
	(pc) =	sbr.rel .LBB2_2-.Ltmp2, $4  }
0x1d: {  	[tilespmem:s26], [sflag:$0x2] =	stream.linear.gather [hbm4b:s12+s6], $0x3800, $0x38;
	[tilespmem:$0x15800] =	vst v63  }
0x1e: {  	_ =	swait.ge [sflag:s21], $0x400  }
0x1f: {  	[sflag:s21] =	ssyncset.done $0x0  }
0x20: {  	s0 =	simm.s32 $0x0;
	[sflag:s21] =	ssyncadd.s32 $0xFFFFFC00  }
.LBB2_5:
0x21: {  	v5 =	vadd.f32 v10, v5;
	v63 =	vld [tilespmem:s19+$0xE0]  }
0x22: {  	v4 =	vadd.f32 v9, v4  }
0x23: {  	v3 =	vadd.f32 v8, v3;
	s4 =	sshll.u32 s0, $0x5;
	[tilespmem:s26+$0x90] =	vst v5  }
0x24: {  	v2 =	vadd.f32 v7, v2;
	s18 =	sadd.s32 $0x2, s0;
	s4 =	sor.u32 s7, s4;
	[tilespmem:s26+$0xA0] =	vst v4  }
0x25: {  	v1 =	vadd.f32 v6, v1;
	p1 =	sge.u32 s18, s8;
	[tilespmem:s26+$0xB0] =	vst v3;
	s4 =	smul.u32 $0x3800, s4  }
0x26: {  	[tilespmem:s26+$0xC0] =	vst v2;
	s18 =	sshll.u32 @!p1 s18, $0x5;
	v0 =	vadd.f32 v63, v0  }
0x27: {  	[tilespmem:s26+$0xD0] =	vst v1;
	s18 =	sor.u32 @!p1 s7, s18;
	s4 =	sshrl.u32 s4, $0x3  }
0x28: {  	s4 =	sadd.s32 s5, s4;
	[tilespmem:s17+$0xE0] =	vst v0;
	s17 =	smul.u32 @!p1 $0x700, s18  }
0x29: {  	[hbm4b:s4+s6] =	stream.linear.scatter [tilespmem:s31], [sflag:$0x3], $0x3800, $0x38;
	[tilespmem:$0x15800] =	vst v63  }
0x2a: {  	s19 =	simm.s32 @!p1 $0x400;
	s18 =	simm.s32 @!p1 $0x0;
	s4 =	sadd.s32 @!p1 s2, s17  }
0x2b: {  	[tilespmem:s19], [sflag:$0x1] =	stream.linear.gather @!p1 [hbm4b:s4+s18], $0x3800, $0x38;
	[tilespmem:$0x15800] =	vst v63  }
0x2c: {  	s4 =	sadd.s32 @!p1 s1, s17;
	s17 =	simm.s32 @!p1 $0x3C00  }
0x2d: {  	[tilespmem:s17], [sflag:$0x1] =	stream.linear.gather @!p1 [hbm4b:s4+s18], $0x3800, $0x38;
	[tilespmem:$0x15800] =	vst v63  }
.LBB2_9:
0x2e: {  	s0 =	sadd.s32 $0x1, s0  }
0x2f: {  	p1 =	sne.s32 s0, s8  }
.Ltmp3:
0x30: {  	_ = 	snop;
	(pc) =	sbr.rel @!p1 .LBB2_10-.Ltmp3, $1  }
0x31: {  	_ =	sdelay $0x3  }
.LBB2_2:
0x32: {  	s4 =	sand.u32 $0x1, s0  }
0x33: {  	p2 =	seq.s32 s4, $0x1  }
.Ltmp4:
0x34: {  	_ = 	snop;
	(pc) =	sbr.rel @!p2 .LBB2_3-.Ltmp4, $2  }
0x35: {  	_ =	sdelay $0x2  }
0x36: {  	p1 =	slt.u32 s0, $0x2  }
0x37: {  	_ =	swait.ge [sflag:s22], $0x3800  }
0x38: {  	[sflag:s22] =	ssyncset.done $0x0  }
0x39: {  	[sflag:s22] =	ssyncadd.s32 $0xFFFFC800  }
0x3a: {  	_ =	swait.ge [sflag:s22], $0x3800  }
0x3b: {  	[sflag:s22] =	ssyncset.done $0x0  }
0x3c: {  	s4 =	simm.s32 @!p1 $0x4;
	[sflag:s22] =	ssyncadd.s32 $0xFFFFC800  }
0x3d: {  	_ =	swait.ge @!p1 [sflag:s4], $0x3800  }
0x3e: {  	[sflag:s4] =	ssyncset.done @!p1 $0x0  }
0x3f: {  	s17 =	simm.s32 $0x7500;
	[sflag:s4] =	ssyncadd.s32 @!p1 $0xFFFFC800  }
0x40: {  	v0 =	vld [tilespmem:s17+$0xFFFFFF70]  }
0x41: {  	v1 =	vld [tilespmem:s17+$0xFFFFFF10]  }
0x42: {  	v2 =	vld [tilespmem:s17+$0xFFFFFF20]  }
0x43: {  	v3 =	vld [tilespmem:s17+$0xFFFFFF30]  }
0x44: {  	v4 =	vld [tilespmem:s17+$0xFFFFFF40]  }
0x45: {  	v5 =	vld [tilespmem:s17+$0xFFFFFF50]  }
0x46: {  	v6 =	vld [tilespmem:s17+$0xFFFFFF60]  }
0x47: {  	s4 =	simm.s32 $0xAD00;
	v7 =	vld [tilespmem:s17+$0xFFFFFF00]  }
0x48: {  	v8 =	vld [tilespmem:s4+$0xFFFFFF70]  }
0x49: {  	v9 =	vld [tilespmem:s4+$0xFFFFFF10]  }
0x4a: {  	v10 =	vld [tilespmem:s4+$0xFFFFFF20]  }
0x4b: {  	v11 =	vld [tilespmem:s4+$0xFFFFFF30]  }
0x4c: {  	v12 =	vld [tilespmem:s4+$0xFFFFFF40]  }
0x4d: {  	v13 =	vld [tilespmem:s4+$0xFFFFFF50]  }
0x4e: {  	v0 =	vld.idx.msk [tilespmem:v0+s6+$0x0], $0xffff  }
0x4f: {  	v1 =	vld.idx.msk [tilespmem:v1+s6+$0x0], $0xffff  }
0x50: {  	v2 =	vld.idx.msk [tilespmem:v2+s6+$0x0], $0xffff  }
0x51: {  	v3 =	vld.idx.msk [tilespmem:v3+s6+$0x0], $0xffff  }
0x52: {  	v7 =	vld.idx.msk [tilespmem:v7+s6+$0x0], $0xffff  }
0x53: {  	v0 =	vadd.f32 v8, v0;
	v8 =	vld [tilespmem:s4+$0xFFFFFF00]  }
0x54: {  	s26 =	simm.s32 $0x11D00;
	v4 =	vld.idx.msk [tilespmem:v4+s6+$0x0], $0xffff  }
0x55: {  	v5 =	vld.idx.msk [tilespmem:v5+s6+$0x0], $0xffff;
	[tilespmem:s26+$0xFFFFFF70] =	vst v0  }
0x56: {  	v1 =	vadd.f32 v9, v1;
	v0 =	vld [tilespmem:s17+$0xFFFFFFF0]  }
0x57: {  	v6 =	vld.idx.msk [tilespmem:v6+s6+$0x0], $0xffff;
	v2 =	vadd.f32 v10, v2  }
0x58: {  	[tilespmem:s26+$0xFFFFFF10] =	vst v1;
	v7 =	vadd.f32 v8, v7;
	v8 =	vld [tilespmem:s4+$0xFFFFFF60]  }
0x59: {  	v1 =	vadd.f32 v11, v3;
	[tilespmem:s26+$0xFFFFFF20] =	vst v2;
	v2 =	vadd.f32 v12, v4;
	v4 =	vld [tilespmem:s17+$0xFFFFFF90]  }
0x5a: {  	v10 =	vld [tilespmem:s4+$0xFFFFFF90]  }
0x5b: {  	v11 =	vld [tilespmem:s4+$0xFFFFFFA0];
	[tilespmem:s26+$0xFFFFFF30] =	vst v1  }
0x5c: {  	[tilespmem:s26+$0xFFFFFF00] =	vst v7;
	v7 =	vld [tilespmem:s4+$0xFFFFFFF0]  }
0x5d: {  	[tilespmem:s26+$0xFFFFFF40] =	vst v2;
	v2 =	vadd.f32 v8, v6;
	v6 =	vld [tilespmem:s17+$0xFFFFFFB0]  }
0x5e: {  	v0 =	vld.idx.msk [tilespmem:v0+s6+$0x0], $0xffff  }
0x5f: {  	v1 =	vadd.f32 v13, v5;
	v5 =	vld [tilespmem:s17+$0xFFFFFFA0]  }
0x60: {  	v59 =	vld [tilespmem:s4+$0xFFFFFFB0]  }
0x61: {  	v60 =	vld [tilespmem:s4+$0xFFFFFFC0]  }
0x62: {  	v3 =	vld [tilespmem:s17+$0xFFFFFF80]  }
0x63: {  	v4 =	vld.idx.msk [tilespmem:v4+s6+$0x0], $0xffff;
	v0 =	vadd.f32 v7, v0  }
0x64: {  	[tilespmem:s26+$0xFFFFFF50] =	vst v1;
	v1 =	vld [tilespmem:s17+$0xFFFFFFC0]  }
0x65: {  	[tilespmem:s26+$0xFFFFFFF0] =	vst v0;
	v6 =	vld.idx.msk [tilespmem:v6+s6+$0x0], $0xffff  }
0x66: {  	v0 =	vld [tilespmem:s17+$0x70]  }
0x67: {  	v9 =	vld [tilespmem:s4+$0xFFFFFF80]  }
0x68: {  	[tilespmem:s26+$0xFFFFFF60] =	vst v2;
	v2 =	vld [tilespmem:s17+$0xFFFFFFD0];
	v4 =	vadd.f32 v10, v4  }
0x69: {  	v5 =	vld.idx.msk [tilespmem:v5+s6+$0x0], $0xffff  }
0x6a: {  	v7 =	vld [tilespmem:s17+$0xFFFFFFE0];
	[tilespmem:s26+$0xFFFFFF90] =	vst v4;
	v4 =	vadd.f32 v59, v6  }
0x6b: {  	v3 =	vld.idx.msk [tilespmem:v3+s6+$0x0], $0xffff  }
0x6c: {  	v8 =	vld [tilespmem:s4+$0x70];
	[tilespmem:s26+$0xFFFFFFB0] =	vst v4  }
0x6d: {  	v4 =	vld [tilespmem:s17+$0x30]  }
0x6e: {  	v0 =	vld.idx.msk [tilespmem:v0+s6+$0x0], $0xffff  }
0x6f: {  	v1 =	vld.idx.msk [tilespmem:v1+s6+$0x0], $0xffff  }
0x70: {  	v2 =	vld.idx.msk [tilespmem:v2+s6+$0x0], $0xffff  }
0x71: {  	v3 =	vadd.f32 v9, v3;
	v9 =	vld [tilespmem:s4+$0xFFFFFFE0]  }
0x72: {  	v6 =	vld [tilespmem:s17+$0x10]  }
0x73: {  	v7 =	vld.idx.msk [tilespmem:v7+s6+$0x0], $0xffff;
	v0 =	vadd.f32 v8, v0  }
0x74: {  	[tilespmem:s26+$0xFFFFFF80] =	vst v3;
	v8 =	vld [tilespmem:s4+$0xFFFFFFD0]  }
0x75: {  	[tilespmem:s26+$0x70] =	vst v0;
	v0 =	vadd.f32 v11, v5;
	v5 =	vld [tilespmem:s17+$0x0]  }
0x76: {  	v4 =	vld.idx.msk [tilespmem:v4+s6+$0x0], $0xffff  }
0x77: {  	v11 =	vld [tilespmem:s4+$0x30]  }
0x78: {  	v3 =	vld [tilespmem:s17+$0xF0]  }
0x79: {  	v62 =	vld [tilespmem:s4+$0xF0];
	[tilespmem:s26+$0xFFFFFFA0] =	vst v0;
	v0 =	vadd.f32 v60, v1  }
0x7a: {  	v1 =	vld [tilespmem:s17+$0x20]  }
0x7b: {  	v2 =	vadd.f32 v8, v2;
	v10 =	vld [tilespmem:s4+$0x20];
	[tilespmem:s26+$0xFFFFFFC0] =	vst v0  }
0x7c: {  	v0 =	vadd.f32 v9, v7;
	v7 =	vld [tilespmem:s17+$0x40]  }
0x7d: {  	v9 =	vld [tilespmem:s4+$0x10];
	[tilespmem:s26+$0xFFFFFFD0] =	vst v2  }
0x7e: {  	v2 =	vld [tilespmem:s17+$0x50];
	[tilespmem:s26+$0xFFFFFFE0] =	vst v0  }
0x7f: {  	v0 =	vld [tilespmem:s17+$0x60]  }
0x80: {  	v8 =	vld.idx.msk [tilespmem:v3+s6+$0x0], $0xffff  }
0x81: {  	v3 =	vld.idx.msk [tilespmem:v5+s6+$0x0], $0xffff  }
0x82: {  	v5 =	vld.idx.msk [tilespmem:v6+s6+$0x0], $0xffff  }
0x83: {  	v1 =	vld.idx.msk [tilespmem:v1+s6+$0x0], $0xffff  }
0x84: {  	v6 =	vld.idx.msk [tilespmem:v7+s6+$0x0], $0xffff  }
0x85: {  	v7 =	vld [tilespmem:s4+$0x0]  }
0x86: {  	v61 =	vld [tilespmem:s4+$0x40]  }
0x87: {  	v2 =	vld.idx.msk [tilespmem:v2+s6+$0x0], $0xffff  }
0x88: {  	v5 =	vadd.f32 v9, v5;
	v9 =	vld [tilespmem:s4+$0x60]  }
0x89: {  	v0 =	vld.idx.msk [tilespmem:v0+s6+$0x0], $0xffff  }
0x8a: {  	v1 =	vadd.f32 v10, v1;
	[tilespmem:s26+$0x10] =	vst v5;
	v3 =	vadd.f32 v7, v3;
	v7 =	vld [tilespmem:s4+$0x50]  }
0x8b: {  	v5 =	vld [tilespmem:s17+$0x90]  }
0x8c: {  	v10 =	vld [tilespmem:s4+$0x90];
	[tilespmem:s26+$0x20] =	vst v1;
	v1 =	vadd.f32 v61, v6  }
0x8d: {  	v6 =	vld [tilespmem:s17+$0xA0];
	[tilespmem:s26+$0x0] =	vst v3  }
0x8e: {  	v4 =	vadd.f32 v11, v4;
	[tilespmem:s26+$0x40] =	vst v1;
	v3 =	vld [tilespmem:s17+$0x80]  }
0x8f: {  	v1 =	vld [tilespmem:s17+$0xC0];
	v2 =	vadd.f32 v7, v2  }
0x90: {  	[tilespmem:s26+$0x30] =	vst v4;
	v0 =	vadd.f32 v9, v0;
	v11 =	vld [tilespmem:s4+$0x80]  }
0x91: {  	v7 =	vld [tilespmem:s17+$0xB0];
	[tilespmem:s26+$0x50] =	vst v2  }
0x92: {  	[tilespmem:s26+$0x60] =	vst v0;
	v9 =	vld [tilespmem:s17+$0xD0]  }
0x93: {  	v0 =	vld [tilespmem:s17+$0xE0]  }
0x94: {  	v5 =	vld.idx.msk [tilespmem:v5+s6+$0x0], $0xffff  }
0x95: {  	v4 =	vld.idx.msk [tilespmem:v6+s6+$0x0], $0xffff  }
0x96: {  	v6 =	vadd.f32 v62, v8;
	v8 =	vld [tilespmem:s4+$0xB0]  }
0x97: {  	v63 =	vld.idx.msk [tilespmem:v3+s6+$0x0], $0xffff  }
0x98: {  	v2 =	vld.idx.msk [tilespmem:v1+s6+$0x0], $0xffff  }
0x99: {  	[tilespmem:s26+$0xF0] =	vst v6;
	v6 =	vld [tilespmem:s4+$0xD0]  }
0x9a: {  	v1 =	vld.idx.msk [tilespmem:v9+s6+$0x0], $0xffff  }
0x9b: {  	v9 =	vld [tilespmem:s4+$0xA0]  }
0x9c: {  	v3 =	vld.idx.msk [tilespmem:v7+s6+$0x0], $0xffff;
	v11 =	vadd.f32 v11, v63  }
0x9d: {  	s18 =	simm.s32 $0x0;
	v7 =	vld [tilespmem:s4+$0xC0]  }
0x9e: {  	s20 =	simm.s32 $0x7700;
	s19 =	simm.s32 $0xAD00;
	s17 =	simm.s32 $0x11D00;
	v0 =	vld.idx.msk [tilespmem:v0+s6+$0x0], $0xffff;
	[tilespmem:s26+$0x80] =	vst v11  }
.LBB2_7:
0x9f: {  	v11 =	vld [tilespmem:s20+$0xFFFFFF70];
	s18 =	sadd.s32 $0x80, s18;
	v5 =	vadd.f32 v10, v5  }
0xa0: {  	v10 =	vld [tilespmem:s20+$0xFFFFFF10];
	p1 =	slt.u32 s18, $0xD80;
	v4 =	vadd.f32 v9, v4  }
0xa1: {  	v9 =	vld [tilespmem:s20+$0xFFFFFF20];
	[tilespmem:s26+$0x90] =	vst v5;
	v3 =	vadd.f32 v8, v3  }
0xa2: {  	v5 =	vld [tilespmem:s20+$0xFFFFFF30];
	[tilespmem:s26+$0xA0] =	vst v4;
	v2 =	vadd.f32 v7, v2  }
0xa3: {  	v4 =	vld [tilespmem:s20+$0xFFFFFF40];
	[tilespmem:s26+$0xB0] =	vst v3;
	v1 =	vadd.f32 v6, v1  }
0xa4: {  	v3 =	vld [tilespmem:s20+$0xFFFFFF50];
	[tilespmem:s26+$0xC0] =	vst v2  }
0xa5: {  	v2 =	vld [tilespmem:s20+$0xFFFFFF60];
	[tilespmem:s26+$0xD0] =	vst v1  }
0xa6: {  	v1 =	vld [tilespmem:s20+$0xFFFFFF00]  }
0xa7: {  	s4 =	sadd.s32 $0x200, s4;
	v6 =	vld.idx.msk [tilespmem:v11+s6+$0x0], $0xffff  }
0xa8: {  	v7 =	vld [tilespmem:s4+$0xFFFFFF70]  }
0xa9: {  	v8 =	vld.idx.msk [tilespmem:v10+s6+$0x0], $0xffff  }
0xaa: {  	v9 =	vld.idx.msk [tilespmem:v9+s6+$0x0], $0xffff  }
0xab: {  	v5 =	vld.idx.msk [tilespmem:v5+s6+$0x0], $0xffff  }
0xac: {  	v4 =	vld.idx.msk [tilespmem:v4+s6+$0x0], $0xffff  }
0xad: {  	v3 =	vld.idx.msk [tilespmem:v3+s6+$0x0], $0xffff;
	v6 =	vadd.f32 v7, v6  }
0xae: {  	s26 =	sadd.s32 $0x200, s26;
	v1 =	vld.idx.msk [tilespmem:v1+s6+$0x0], $0xffff  }
0xaf: {  	v2 =	vld.idx.msk [tilespmem:v2+s6+$0x0], $0xffff;
	[tilespmem:s26+$0xFFFFFF70] =	vst v6  }
0xb0: {  	v6 =	vld [tilespmem:s20+$0xFFFFFFF0]  }
0xb1: {  	v7 =	vld [tilespmem:s4+$0xFFFFFF00]  }
0xb2: {  	v10 =	vld [tilespmem:s4+$0xFFFFFF10]  }
0xb3: {  	v11 =	vld [tilespmem:s4+$0xFFFFFF20]  }
0xb4: {  	v12 =	vld [tilespmem:s4+$0xFFFFFF30]  }
0xb5: {  	v13 =	vld [tilespmem:s4+$0xFFFFFF40]  }
0xb6: {  	v1 =	vadd.f32 v7, v1;
	v7 =	vld [tilespmem:s4+$0xFFFFFF50]  }
0xb7: {  	v8 =	vadd.f32 v10, v8;
	v10 =	vld [tilespmem:s4+$0xFFFFFF60]  }
0xb8: {  	[tilespmem:s26+$0xFFFFFF00] =	vst v1;
	v1 =	vadd.f32 v11, v9;
	v6 =	vld.idx.msk [tilespmem:v6+s6+$0x0], $0xffff  }
0xb9: {  	[tilespmem:s26+$0xFFFFFF10] =	vst v8;
	v5 =	vadd.f32 v12, v5;
	v8 =	vld [tilespmem:s4+$0xFFFFFFF0]  }
0xba: {  	v9 =	vld [tilespmem:s20+$0xFFFFFF80];
	[tilespmem:s26+$0xFFFFFF20] =	vst v1;
	v1 =	vadd.f32 v13, v4  }
0xbb: {  	v4 =	vld [tilespmem:s20+$0xFFFFFF90];
	[tilespmem:s26+$0xFFFFFF30] =	vst v5;
	v3 =	vadd.f32 v7, v3  }
0xbc: {  	v5 =	vld [tilespmem:s20+$0xFFFFFFA0];
	[tilespmem:s26+$0xFFFFFF40] =	vst v1;
	v1 =	vadd.f32 v10, v2  }
0xbd: {  	v2 =	vld [tilespmem:s20+$0xFFFFFFB0];
	[tilespmem:s26+$0xFFFFFF50] =	vst v3  }
0xbe: {  	v3 =	vld [tilespmem:s20+$0xFFFFFFC0];
	[tilespmem:s26+$0xFFFFFF60] =	vst v1;
	v1 =	vadd.f32 v8, v6  }
0xbf: {  	v6 =	vld [tilespmem:s20+$0xFFFFFFD0]  }
0xc0: {  	v7 =	vld [tilespmem:s20+$0xFFFFFFE0];
	[tilespmem:s26+$0xFFFFFFF0] =	vst v1  }
0xc1: {  	v1 =	vld [tilespmem:s20+$0x70]  }
0xc2: {  	v8 =	vld.idx.msk [tilespmem:v9+s6+$0x0], $0xffff  }
0xc3: {  	v4 =	vld.idx.msk [tilespmem:v4+s6+$0x0], $0xffff  }
0xc4: {  	v5 =	vld.idx.msk [tilespmem:v5+s6+$0x0], $0xffff  }
0xc5: {  	v2 =	vld.idx.msk [tilespmem:v2+s6+$0x0], $0xffff  }
0xc6: {  	v3 =	vld.idx.msk [tilespmem:v3+s6+$0x0], $0xffff  }
0xc7: {  	v6 =	vld.idx.msk [tilespmem:v6+s6+$0x0], $0xffff  }
0xc8: {  	v7 =	vld.idx.msk [tilespmem:v7+s6+$0x0], $0xffff  }
0xc9: {  	v1 =	vld.idx.msk [tilespmem:v1+s6+$0x0], $0xffff  }
0xca: {  	v9 =	vld [tilespmem:s4+$0x70]  }
0xcb: {  	v10 =	vld [tilespmem:s4+$0xFFFFFF80]  }
0xcc: {  	v11 =	vld [tilespmem:s4+$0xFFFFFF90]  }
0xcd: {  	v12 =	vld [tilespmem:s4+$0xFFFFFFA0]  }
0xce: {  	v13 =	vld [tilespmem:s4+$0xFFFFFFB0]  }
0xcf: {  	v14 =	vld [tilespmem:s4+$0xFFFFFFC0];
	v1 =	vadd.f32 v9, v1  }
0xd0: {  	v8 =	vadd.f32 v10, v8;
	v9 =	vld [tilespmem:s4+$0xFFFFFFD0]  }
0xd1: {  	v4 =	vadd.f32 v11, v4;
	v10 =	vld [tilespmem:s4+$0xFFFFFFE0];
	[tilespmem:s26+$0x70] =	vst v1  }
0xd2: {  	[tilespmem:s26+$0xFFFFFF80] =	vst v8;
	v1 =	vadd.f32 v12, v5;
	v5 =	vld [tilespmem:s20+$0xF0]  }
0xd3: {  	v8 =	vld [tilespmem:s20+$0x0];
	[tilespmem:s26+$0xFFFFFF90] =	vst v4;
	v2 =	vadd.f32 v13, v2  }
0xd4: {  	v4 =	vld [tilespmem:s20+$0x10];
	[tilespmem:s26+$0xFFFFFFA0] =	vst v1;
	v1 =	vadd.f32 v14, v3  }
0xd5: {  	v3 =	vld [tilespmem:s20+$0x20];
	[tilespmem:s26+$0xFFFFFFB0] =	vst v2;
	v2 =	vadd.f32 v9, v6  }
0xd6: {  	v6 =	vld [tilespmem:s20+$0x30];
	[tilespmem:s26+$0xFFFFFFC0] =	vst v1;
	v1 =	vadd.f32 v10, v7  }
0xd7: {  	v7 =	vld [tilespmem:s20+$0x40];
	[tilespmem:s26+$0xFFFFFFD0] =	vst v2  }
0xd8: {  	v2 =	vld [tilespmem:s20+$0x50];
	[tilespmem:s26+$0xFFFFFFE0] =	vst v1  }
0xd9: {  	v1 =	vld [tilespmem:s20+$0x60]  }
0xda: {  	v5 =	vld.idx.msk [tilespmem:v5+s6+$0x0], $0xffff  }
0xdb: {  	v9 =	vld [tilespmem:s4+$0xF0]  }
0xdc: {  	v8 =	vld.idx.msk [tilespmem:v8+s6+$0x0], $0xffff  }
0xdd: {  	v4 =	vld.idx.msk [tilespmem:v4+s6+$0x0], $0xffff  }
0xde: {  	v3 =	vld.idx.msk [tilespmem:v3+s6+$0x0], $0xffff  }
0xdf: {  	v6 =	vld.idx.msk [tilespmem:v6+s6+$0x0], $0xffff  }
0xe0: {  	v7 =	vld.idx.msk [tilespmem:v7+s6+$0x0], $0xffff;
	v5 =	vadd.f32 v9, v5  }
0xe1: {  	v2 =	vld.idx.msk [tilespmem:v2+s6+$0x0], $0xffff  }
0xe2: {  	v1 =	vld.idx.msk [tilespmem:v1+s6+$0x0], $0xffff;
	[tilespmem:s26+$0xF0] =	vst v5  }
0xe3: {  	v5 =	vld [tilespmem:s4+$0x0]  }
0xe4: {  	v9 =	vld [tilespmem:s4+$0x10]  }
0xe5: {  	v10 =	vld [tilespmem:s4+$0x20]  }
0xe6: {  	v11 =	vld [tilespmem:s4+$0x30]  }
0xe7: {  	v12 =	vld [tilespmem:s4+$0x40]  }
0xe8: {  	v5 =	vadd.f32 v5, v8;
	v8 =	vld [tilespmem:s4+$0x50]  }
0xe9: {  	v4 =	vadd.f32 v9, v4;
	v9 =	vld [tilespmem:s4+$0x60]  }
0xea: {  	[tilespmem:s26+$0x0] =	vst v5;
	v3 =	vadd.f32 v10, v3;
	v5 =	vld [tilespmem:s19+$0xE0];
	s19 =	smov.u32 s4  }
0xeb: {  	v10 =	vld [tilespmem:s20+$0x80];
	[tilespmem:s26+$0x10] =	vst v4;
	v4 =	vadd.f32 v11, v6  }
0xec: {  	v6 =	vld [tilespmem:s20+$0x90];
	[tilespmem:s26+$0x20] =	vst v3;
	v3 =	vadd.f32 v12, v7  }
0xed: {  	v7 =	vld [tilespmem:s20+$0xA0];
	[tilespmem:s26+$0x30] =	vst v4;
	v2 =	vadd.f32 v8, v2  }
0xee: {  	v8 =	vld [tilespmem:s20+$0xB0];
	[tilespmem:s26+$0x40] =	vst v3;
	v1 =	vadd.f32 v9, v1  }
0xef: {  	v9 =	vld [tilespmem:s20+$0xC0];
	[tilespmem:s26+$0x50] =	vst v2;
	v0 =	vadd.f32 v5, v0  }
0xf0: {  	v11 =	vld [tilespmem:s20+$0xD0];
	[tilespmem:s26+$0x60] =	vst v1  }
0xf1: {  	v12 =	vld [tilespmem:s20+$0xE0];
	[tilespmem:s17+$0xE0] =	vst v0;
	s17 =	smov.u32 s26  }
0xf2: {  	v0 =	vld [tilespmem:s4+$0x80]  }
0xf3: {  	v10 =	vld.idx.msk [tilespmem:v10+s6+$0x0], $0xffff  }
0xf4: {  	v5 =	vld.idx.msk [tilespmem:v6+s6+$0x0], $0xffff  }
0xf5: {  	v4 =	vld.idx.msk [tilespmem:v7+s6+$0x0], $0xffff  }
0xf6: {  	v3 =	vld.idx.msk [tilespmem:v8+s6+$0x0], $0xffff  }
0xf7: {  	v2 =	vld.idx.msk [tilespmem:v9+s6+$0x0], $0xffff  }
0xf8: {  	v1 =	vld.idx.msk [tilespmem:v11+s6+$0x0], $0xffff  }
0xf9: {  	v6 =	vadd.f32 v0, v10;
	v0 =	vld.idx.msk [tilespmem:v12+s6+$0x0], $0xffff  }
.Ltmp5:
0xfa: {  	v10 =	vld [tilespmem:s4+$0x90];
	(pc) =	sbr.rel @p1 .LBB2_7-.Ltmp5, $4  }
0xfb: {  	[tilespmem:s26+$0x80] =	vst v6;
	v9 =	vld [tilespmem:s4+$0xA0]  }
0xfc: {  	v8 =	vld [tilespmem:s4+$0xB0]  }
0xfd: {  	v7 =	vld [tilespmem:s4+$0xC0]  }
0xfe: {  	s20 =	sadd.s32 $0x200, s20;
	v6 =	vld [tilespmem:s4+$0xD0]  }
0xff: {  	v5 =	vadd.f32 v10, v5;
	v63 =	vld [tilespmem:s19+$0xE0]  }
0x100: {  	v4 =	vadd.f32 v9, v4  }
0x101: {  	s4 =	sshll.u32 s0, $0x5;
	[tilespmem:s26+$0x90] =	vst v5;
	v3 =	vadd.f32 v8, v3  }
0x102: {  	s18 =	sadd.s32 $0x2, s0;
	s4 =	sor.u32 s7, s4;
	[tilespmem:s26+$0xA0] =	vst v4;
	v2 =	vadd.f32 v7, v2  }
0x103: {  	p1 =	sge.u32 s18, s8;
	s4 =	smul.u32 $0x3800, s4;
	[tilespmem:s26+$0xB0] =	vst v3;
	v1 =	vadd.f32 v6, v1  }
0x104: {  	s18 =	sshll.u32 @!p1 s18, $0x5;
	[tilespmem:s26+$0xC0] =	vst v2;
	v0 =	vadd.f32 v63, v0  }
0x105: {  	s18 =	sor.u32 @!p1 s7, s18;
	s4 =	sshrl.u32 s4, $0x3;
	[tilespmem:s26+$0xD0] =	vst v1  }
0x106: {  	s4 =	sadd.s32 s5, s4;
	[tilespmem:s17+$0xE0] =	vst v0;
	s17 =	smul.u32 @!p1 $0x700, s18  }
0x107: {  	[hbm4b:s4+s6] =	stream.linear.scatter [tilespmem:s23], [sflag:$0x4], $0x3800, $0x38;
	[tilespmem:$0x15800] =	vst v63  }
.Ltmp6:
0x108: {  	_ = 	snop;
	(pc) =	sbr.rel .LBB2_9-.Ltmp6, $4  }
0x109: {  	s19 =	simm.s32 @!p1 $0x7400;
	s18 =	simm.s32 @!p1 $0x0;
	s4 =	sadd.s32 @!p1 s2, s17  }
0x10a: {  	[tilespmem:s19], [sflag:$0x2] =	stream.linear.gather @!p1 [hbm4b:s4+s18], $0x3800, $0x38;
	[tilespmem:$0x15800] =	vst v63  }
0x10b: {  	s4 =	sadd.s32 @!p1 s1, s17;
	s17 =	simm.s32 @!p1 $0xAC00  }
0x10c: {  	[tilespmem:s17], [sflag:$0x2] =	stream.linear.gather @!p1 [hbm4b:s4+s18], $0x3800, $0x38;
	[tilespmem:$0x15800] =	vst v63  }
.LBB2_3:
0x10d: {  	_ =	swait.ge [sflag:s30], $0x3800  }
0x10e: {  	[sflag:s30] =	ssyncset.done $0x0  }
0x10f: {  	[sflag:s30] =	ssyncadd.s32 $0xFFFFC800  }
0x110: {  	_ =	swait.ge [sflag:s30], $0x3800  }
0x111: {  	[sflag:s30] =	ssyncset.done $0x0  }
0x112: {  	s4 =	simm.s32 @!p1 $0x3;
	[sflag:s30] =	ssyncadd.s32 $0xFFFFC800  }
0x113: {  	_ =	swait.ge @!p1 [sflag:s4], $0x3800  }
0x114: {  	[sflag:s4] =	ssyncset.done @!p1 $0x0  }
0x115: {  	s17 =	simm.s32 $0x500;
	[sflag:s4] =	ssyncadd.s32 @!p1 $0xFFFFC800  }
0x116: {  	v0 =	vld [tilespmem:s17+$0xFFFFFF70]  }
0x117: {  	v1 =	vld [tilespmem:s17+$0xFFFFFF10]  }
0x118: {  	v2 =	vld [tilespmem:s17+$0xFFFFFF20]  }
0x119: {  	v3 =	vld [tilespmem:s17+$0xFFFFFF30]  }
0x11a: {  	v4 =	vld [tilespmem:s17+$0xFFFFFF40]  }
0x11b: {  	v5 =	vld [tilespmem:s17+$0xFFFFFF50]  }
0x11c: {  	v6 =	vld [tilespmem:s17+$0xFFFFFF60]  }
0x11d: {  	s4 =	simm.s32 $0x3D00;
	v7 =	vld [tilespmem:s17+$0xFFFFFF00]  }
0x11e: {  	v8 =	vld [tilespmem:s4+$0xFFFFFF70]  }
0x11f: {  	v9 =	vld [tilespmem:s4+$0xFFFFFF10]  }
0x120: {  	v10 =	vld [tilespmem:s4+$0xFFFFFF20]  }
0x121: {  	v11 =	vld [tilespmem:s4+$0xFFFFFF30]  }
0x122: {  	v12 =	vld [tilespmem:s4+$0xFFFFFF40]  }
0x123: {  	v13 =	vld [tilespmem:s4+$0xFFFFFF50]  }
0x124: {  	v0 =	vld.idx.msk [tilespmem:v0+s6+$0x0], $0xffff  }
0x125: {  	v1 =	vld.idx.msk [tilespmem:v1+s6+$0x0], $0xffff  }
0x126: {  	v2 =	vld.idx.msk [tilespmem:v2+s6+$0x0], $0xffff  }
0x127: {  	v3 =	vld.idx.msk [tilespmem:v3+s6+$0x0], $0xffff  }
0x128: {  	v7 =	vld.idx.msk [tilespmem:v7+s6+$0x0], $0xffff  }
0x129: {  	v0 =	vadd.f32 v8, v0;
	v8 =	vld [tilespmem:s4+$0xFFFFFF00]  }
0x12a: {  	s26 =	simm.s32 $0xE500;
	v4 =	vld.idx.msk [tilespmem:v4+s6+$0x0], $0xffff  }
0x12b: {  	v5 =	vld.idx.msk [tilespmem:v5+s6+$0x0], $0xffff;
	[tilespmem:s26+$0xFFFFFF70] =	vst v0  }
0x12c: {  	v1 =	vadd.f32 v9, v1;
	v0 =	vld [tilespmem:s17+$0xFFFFFFF0]  }
0x12d: {  	v6 =	vld.idx.msk [tilespmem:v6+s6+$0x0], $0xffff;
	v2 =	vadd.f32 v10, v2  }
0x12e: {  	[tilespmem:s26+$0xFFFFFF10] =	vst v1;
	v7 =	vadd.f32 v8, v7;
	v8 =	vld [tilespmem:s4+$0xFFFFFF60]  }
0x12f: {  	v1 =	vadd.f32 v11, v3;
	[tilespmem:s26+$0xFFFFFF20] =	vst v2;
	v2 =	vadd.f32 v12, v4;
	v4 =	vld [tilespmem:s17+$0xFFFFFF90]  }
0x130: {  	v10 =	vld [tilespmem:s4+$0xFFFFFF90]  }
0x131: {  	v11 =	vld [tilespmem:s4+$0xFFFFFFA0];
	[tilespmem:s26+$0xFFFFFF30] =	vst v1  }
0x132: {  	[tilespmem:s26+$0xFFFFFF00] =	vst v7;
	v7 =	vld [tilespmem:s4+$0xFFFFFFF0]  }
0x133: {  	[tilespmem:s26+$0xFFFFFF40] =	vst v2;
	v2 =	vadd.f32 v8, v6;
	v6 =	vld [tilespmem:s17+$0xFFFFFFB0]  }
0x134: {  	v0 =	vld.idx.msk [tilespmem:v0+s6+$0x0], $0xffff  }
0x135: {  	v1 =	vadd.f32 v13, v5;
	v5 =	vld [tilespmem:s17+$0xFFFFFFA0]  }
0x136: {  	v59 =	vld [tilespmem:s4+$0xFFFFFFB0]  }
0x137: {  	v60 =	vld [tilespmem:s4+$0xFFFFFFC0]  }
0x138: {  	v3 =	vld [tilespmem:s17+$0xFFFFFF80]  }
0x139: {  	v4 =	vld.idx.msk [tilespmem:v4+s6+$0x0], $0xffff;
	v0 =	vadd.f32 v7, v0  }
0x13a: {  	[tilespmem:s26+$0xFFFFFF50] =	vst v1;
	v1 =	vld [tilespmem:s17+$0xFFFFFFC0]  }
0x13b: {  	[tilespmem:s26+$0xFFFFFFF0] =	vst v0;
	v6 =	vld.idx.msk [tilespmem:v6+s6+$0x0], $0xffff  }
0x13c: {  	v0 =	vld [tilespmem:s17+$0x70]  }
0x13d: {  	v9 =	vld [tilespmem:s4+$0xFFFFFF80]  }
0x13e: {  	[tilespmem:s26+$0xFFFFFF60] =	vst v2;
	v2 =	vld [tilespmem:s17+$0xFFFFFFD0];
	v4 =	vadd.f32 v10, v4  }
0x13f: {  	v5 =	vld.idx.msk [tilespmem:v5+s6+$0x0], $0xffff  }
0x140: {  	v7 =	vld [tilespmem:s17+$0xFFFFFFE0];
	[tilespmem:s26+$0xFFFFFF90] =	vst v4;
	v4 =	vadd.f32 v59, v6  }
0x141: {  	v3 =	vld.idx.msk [tilespmem:v3+s6+$0x0], $0xffff  }
0x142: {  	v8 =	vld [tilespmem:s4+$0x70];
	[tilespmem:s26+$0xFFFFFFB0] =	vst v4  }
0x143: {  	v4 =	vld [tilespmem:s17+$0x30]  }
0x144: {  	v0 =	vld.idx.msk [tilespmem:v0+s6+$0x0], $0xffff  }
0x145: {  	v1 =	vld.idx.msk [tilespmem:v1+s6+$0x0], $0xffff  }
0x146: {  	v2 =	vld.idx.msk [tilespmem:v2+s6+$0x0], $0xffff  }
0x147: {  	v3 =	vadd.f32 v9, v3;
	v9 =	vld [tilespmem:s4+$0xFFFFFFE0]  }
0x148: {  	v6 =	vld [tilespmem:s17+$0x10]  }
0x149: {  	v7 =	vld.idx.msk [tilespmem:v7+s6+$0x0], $0xffff;
	v0 =	vadd.f32 v8, v0  }
0x14a: {  	[tilespmem:s26+$0xFFFFFF80] =	vst v3;
	v8 =	vld [tilespmem:s4+$0xFFFFFFD0]  }
0x14b: {  	[tilespmem:s26+$0x70] =	vst v0;
	v0 =	vadd.f32 v11, v5;
	v5 =	vld [tilespmem:s17+$0x0]  }
0x14c: {  	v4 =	vld.idx.msk [tilespmem:v4+s6+$0x0], $0xffff  }
0x14d: {  	v11 =	vld [tilespmem:s4+$0x30]  }
0x14e: {  	v3 =	vld [tilespmem:s17+$0xF0]  }
0x14f: {  	v62 =	vld [tilespmem:s4+$0xF0];
	[tilespmem:s26+$0xFFFFFFA0] =	vst v0;
	v0 =	vadd.f32 v60, v1  }
0x150: {  	v1 =	vld [tilespmem:s17+$0x20]  }
0x151: {  	v2 =	vadd.f32 v8, v2;
	v10 =	vld [tilespmem:s4+$0x20];
	[tilespmem:s26+$0xFFFFFFC0] =	vst v0  }
0x152: {  	v0 =	vadd.f32 v9, v7;
	v7 =	vld [tilespmem:s17+$0x40]  }
0x153: {  	v9 =	vld [tilespmem:s4+$0x10];
	[tilespmem:s26+$0xFFFFFFD0] =	vst v2  }
0x154: {  	v2 =	vld [tilespmem:s17+$0x50];
	[tilespmem:s26+$0xFFFFFFE0] =	vst v0  }
0x155: {  	v0 =	vld [tilespmem:s17+$0x60]  }
0x156: {  	v8 =	vld.idx.msk [tilespmem:v3+s6+$0x0], $0xffff  }
0x157: {  	v3 =	vld.idx.msk [tilespmem:v5+s6+$0x0], $0xffff  }
0x158: {  	v5 =	vld.idx.msk [tilespmem:v6+s6+$0x0], $0xffff  }
0x159: {  	v1 =	vld.idx.msk [tilespmem:v1+s6+$0x0], $0xffff  }
0x15a: {  	v6 =	vld.idx.msk [tilespmem:v7+s6+$0x0], $0xffff  }
0x15b: {  	v7 =	vld [tilespmem:s4+$0x0]  }
0x15c: {  	v61 =	vld [tilespmem:s4+$0x40]  }
0x15d: {  	v2 =	vld.idx.msk [tilespmem:v2+s6+$0x0], $0xffff  }
0x15e: {  	v5 =	vadd.f32 v9, v5;
	v9 =	vld [tilespmem:s4+$0x60]  }
0x15f: {  	v0 =	vld.idx.msk [tilespmem:v0+s6+$0x0], $0xffff  }
0x160: {  	v1 =	vadd.f32 v10, v1;
	[tilespmem:s26+$0x10] =	vst v5;
	v3 =	vadd.f32 v7, v3;
	v7 =	vld [tilespmem:s4+$0x50]  }
0x161: {  	v5 =	vld [tilespmem:s17+$0x90]  }
0x162: {  	v10 =	vld [tilespmem:s4+$0x90];
	[tilespmem:s26+$0x20] =	vst v1;
	v1 =	vadd.f32 v61, v6  }
0x163: {  	v6 =	vld [tilespmem:s17+$0xA0];
	[tilespmem:s26+$0x0] =	vst v3  }
0x164: {  	v4 =	vadd.f32 v11, v4;
	[tilespmem:s26+$0x40] =	vst v1;
	v3 =	vld [tilespmem:s17+$0x80]  }
0x165: {  	v1 =	vld [tilespmem:s17+$0xC0];
	v2 =	vadd.f32 v7, v2  }
0x166: {  	[tilespmem:s26+$0x30] =	vst v4;
	v0 =	vadd.f32 v9, v0;
	v11 =	vld [tilespmem:s4+$0x80]  }
0x167: {  	v7 =	vld [tilespmem:s17+$0xB0];
	[tilespmem:s26+$0x50] =	vst v2  }
0x168: {  	[tilespmem:s26+$0x60] =	vst v0;
	v9 =	vld [tilespmem:s17+$0xD0]  }
0x169: {  	v0 =	vld [tilespmem:s17+$0xE0]  }
0x16a: {  	v5 =	vld.idx.msk [tilespmem:v5+s6+$0x0], $0xffff  }
0x16b: {  	v4 =	vld.idx.msk [tilespmem:v6+s6+$0x0], $0xffff  }
0x16c: {  	v6 =	vadd.f32 v62, v8;
	v8 =	vld [tilespmem:s4+$0xB0]  }
0x16d: {  	v63 =	vld.idx.msk [tilespmem:v3+s6+$0x0], $0xffff  }
0x16e: {  	v2 =	vld.idx.msk [tilespmem:v1+s6+$0x0], $0xffff  }
0x16f: {  	[tilespmem:s26+$0xF0] =	vst v6;
	v6 =	vld [tilespmem:s4+$0xD0]  }
0x170: {  	v1 =	vld.idx.msk [tilespmem:v9+s6+$0x0], $0xffff  }
0x171: {  	v9 =	vld [tilespmem:s4+$0xA0]  }
0x172: {  	v3 =	vld.idx.msk [tilespmem:v7+s6+$0x0], $0xffff;
	v11 =	vadd.f32 v11, v63  }
0x173: {  	s18 =	simm.s32 $0x0;
	v7 =	vld [tilespmem:s4+$0xC0]  }
0x174: {  	s20 =	simm.s32 $0x700;
	s19 =	simm.s32 $0x3D00;
	s17 =	simm.s32 $0xE500;
	v0 =	vld.idx.msk [tilespmem:v0+s6+$0x0], $0xffff;
	[tilespmem:s26+$0x80] =	vst v11  }
.LBB2_4:
0x175: {  	v11 =	vld [tilespmem:s20+$0xFFFFFF70];
	s18 =	sadd.s32 $0x80, s18;
	v5 =	vadd.f32 v10, v5  }
0x176: {  	v4 =	vadd.f32 v9, v4;
	v10 =	vld [tilespmem:s20+$0xFFFFFF10];
	p1 =	slt.u32 s18, $0xD80  }
0x177: {  	v3 =	vadd.f32 v8, v3;
	v9 =	vld [tilespmem:s20+$0xFFFFFF20];
	[tilespmem:s26+$0x90] =	vst v5  }
0x178: {  	v2 =	vadd.f32 v7, v2;
	v5 =	vld [tilespmem:s20+$0xFFFFFF30];
	[tilespmem:s26+$0xA0] =	vst v4  }
0x179: {  	v1 =	vadd.f32 v6, v1;
	v4 =	vld [tilespmem:s20+$0xFFFFFF40];
	[tilespmem:s26+$0xB0] =	vst v3  }
0x17a: {  	v3 =	vld [tilespmem:s20+$0xFFFFFF50];
	[tilespmem:s26+$0xC0] =	vst v2  }
0x17b: {  	v2 =	vld [tilespmem:s20+$0xFFFFFF60];
	[tilespmem:s26+$0xD0] =	vst v1  }
0x17c: {  	v1 =	vld [tilespmem:s20+$0xFFFFFF00]  }
0x17d: {  	s4 =	sadd.s32 $0x200, s4;
	v6 =	vld.idx.msk [tilespmem:v11+s6+$0x0], $0xffff  }
0x17e: {  	v7 =	vld [tilespmem:s4+$0xFFFFFF70]  }
0x17f: {  	v8 =	vld.idx.msk [tilespmem:v10+s6+$0x0], $0xffff  }
0x180: {  	v9 =	vld.idx.msk [tilespmem:v9+s6+$0x0], $0xffff  }
0x181: {  	v5 =	vld.idx.msk [tilespmem:v5+s6+$0x0], $0xffff  }
0x182: {  	v4 =	vld.idx.msk [tilespmem:v4+s6+$0x0], $0xffff  }
0x183: {  	v3 =	vld.idx.msk [tilespmem:v3+s6+$0x0], $0xffff;
	v6 =	vadd.f32 v7, v6  }
0x184: {  	s26 =	sadd.s32 $0x200, s26;
	v1 =	vld.idx.msk [tilespmem:v1+s6+$0x0], $0xffff  }
0x185: {  	v2 =	vld.idx.msk [tilespmem:v2+s6+$0x0], $0xffff;
	[tilespmem:s26+$0xFFFFFF70] =	vst v6  }
0x186: {  	v6 =	vld [tilespmem:s20+$0xFFFFFFF0]  }
0x187: {  	v7 =	vld [tilespmem:s4+$0xFFFFFF00]  }
0x188: {  	v10 =	vld [tilespmem:s4+$0xFFFFFF10]  }
0x189: {  	v11 =	vld [tilespmem:s4+$0xFFFFFF20]  }
0x18a: {  	v12 =	vld [tilespmem:s4+$0xFFFFFF30]  }
0x18b: {  	v13 =	vld [tilespmem:s4+$0xFFFFFF40]  }
0x18c: {  	v1 =	vadd.f32 v7, v1;
	v7 =	vld [tilespmem:s4+$0xFFFFFF50]  }
0x18d: {  	v8 =	vadd.f32 v10, v8;
	v10 =	vld [tilespmem:s4+$0xFFFFFF60]  }
0x18e: {  	[tilespmem:s26+$0xFFFFFF00] =	vst v1;
	v1 =	vadd.f32 v11, v9;
	v6 =	vld.idx.msk [tilespmem:v6+s6+$0x0], $0xffff  }
0x18f: {  	[tilespmem:s26+$0xFFFFFF10] =	vst v8;
	v5 =	vadd.f32 v12, v5;
	v8 =	vld [tilespmem:s4+$0xFFFFFFF0]  }
0x190: {  	v9 =	vld [tilespmem:s20+$0xFFFFFF80];
	[tilespmem:s26+$0xFFFFFF20] =	vst v1;
	v1 =	vadd.f32 v13, v4  }
0x191: {  	v4 =	vld [tilespmem:s20+$0xFFFFFF90];
	[tilespmem:s26+$0xFFFFFF30] =	vst v5;
	v3 =	vadd.f32 v7, v3  }
0x192: {  	v5 =	vld [tilespmem:s20+$0xFFFFFFA0];
	[tilespmem:s26+$0xFFFFFF40] =	vst v1;
	v1 =	vadd.f32 v10, v2  }
0x193: {  	v2 =	vld [tilespmem:s20+$0xFFFFFFB0];
	[tilespmem:s26+$0xFFFFFF50] =	vst v3  }
0x194: {  	v3 =	vld [tilespmem:s20+$0xFFFFFFC0];
	[tilespmem:s26+$0xFFFFFF60] =	vst v1;
	v1 =	vadd.f32 v8, v6  }
0x195: {  	v6 =	vld [tilespmem:s20+$0xFFFFFFD0]  }
0x196: {  	v7 =	vld [tilespmem:s20+$0xFFFFFFE0];
	[tilespmem:s26+$0xFFFFFFF0] =	vst v1  }
0x197: {  	v1 =	vld [tilespmem:s20+$0x70]  }
0x198: {  	v8 =	vld.idx.msk [tilespmem:v9+s6+$0x0], $0xffff  }
0x199: {  	v4 =	vld.idx.msk [tilespmem:v4+s6+$0x0], $0xffff  }
0x19a: {  	v5 =	vld.idx.msk [tilespmem:v5+s6+$0x0], $0xffff  }
0x19b: {  	v2 =	vld.idx.msk [tilespmem:v2+s6+$0x0], $0xffff  }
0x19c: {  	v3 =	vld.idx.msk [tilespmem:v3+s6+$0x0], $0xffff  }
0x19d: {  	v6 =	vld.idx.msk [tilespmem:v6+s6+$0x0], $0xffff  }
0x19e: {  	v7 =	vld.idx.msk [tilespmem:v7+s6+$0x0], $0xffff  }
0x19f: {  	v1 =	vld.idx.msk [tilespmem:v1+s6+$0x0], $0xffff  }
0x1a0: {  	v9 =	vld [tilespmem:s4+$0x70]  }
0x1a1: {  	v10 =	vld [tilespmem:s4+$0xFFFFFF80]  }
0x1a2: {  	v11 =	vld [tilespmem:s4+$0xFFFFFF90]  }
0x1a3: {  	v12 =	vld [tilespmem:s4+$0xFFFFFFA0]  }
0x1a4: {  	v13 =	vld [tilespmem:s4+$0xFFFFFFB0]  }
0x1a5: {  	v14 =	vld [tilespmem:s4+$0xFFFFFFC0];
	v1 =	vadd.f32 v9, v1  }
0x1a6: {  	v8 =	vadd.f32 v10, v8;
	v9 =	vld [tilespmem:s4+$0xFFFFFFD0]  }
0x1a7: {  	v4 =	vadd.f32 v11, v4;
	v10 =	vld [tilespmem:s4+$0xFFFFFFE0];
	[tilespmem:s26+$0x70] =	vst v1  }
0x1a8: {  	[tilespmem:s26+$0xFFFFFF80] =	vst v8;
	v1 =	vadd.f32 v12, v5;
	v5 =	vld [tilespmem:s20+$0xF0]  }
0x1a9: {  	v8 =	vld [tilespmem:s20+$0x0];
	[tilespmem:s26+$0xFFFFFF90] =	vst v4;
	v2 =	vadd.f32 v13, v2  }
0x1aa: {  	v4 =	vld [tilespmem:s20+$0x10];
	[tilespmem:s26+$0xFFFFFFA0] =	vst v1;
	v1 =	vadd.f32 v14, v3  }
0x1ab: {  	v3 =	vld [tilespmem:s20+$0x20];
	[tilespmem:s26+$0xFFFFFFB0] =	vst v2;
	v2 =	vadd.f32 v9, v6  }
0x1ac: {  	v6 =	vld [tilespmem:s20+$0x30];
	[tilespmem:s26+$0xFFFFFFC0] =	vst v1;
	v1 =	vadd.f32 v10, v7  }
0x1ad: {  	v7 =	vld [tilespmem:s20+$0x40];
	[tilespmem:s26+$0xFFFFFFD0] =	vst v2  }
0x1ae: {  	v2 =	vld [tilespmem:s20+$0x50];
	[tilespmem:s26+$0xFFFFFFE0] =	vst v1  }
0x1af: {  	v1 =	vld [tilespmem:s20+$0x60]  }
0x1b0: {  	v5 =	vld.idx.msk [tilespmem:v5+s6+$0x0], $0xffff  }
0x1b1: {  	v9 =	vld [tilespmem:s4+$0xF0]  }
0x1b2: {  	v8 =	vld.idx.msk [tilespmem:v8+s6+$0x0], $0xffff  }
0x1b3: {  	v4 =	vld.idx.msk [tilespmem:v4+s6+$0x0], $0xffff  }
0x1b4: {  	v3 =	vld.idx.msk [tilespmem:v3+s6+$0x0], $0xffff  }
0x1b5: {  	v6 =	vld.idx.msk [tilespmem:v6+s6+$0x0], $0xffff  }
0x1b6: {  	v7 =	vld.idx.msk [tilespmem:v7+s6+$0x0], $0xffff;
	v5 =	vadd.f32 v9, v5  }
0x1b7: {  	v2 =	vld.idx.msk [tilespmem:v2+s6+$0x0], $0xffff  }
0x1b8: {  	v1 =	vld.idx.msk [tilespmem:v1+s6+$0x0], $0xffff;
	[tilespmem:s26+$0xF0] =	vst v5  }
0x1b9: {  	v5 =	vld [tilespmem:s4+$0x0]  }
0x1ba: {  	v9 =	vld [tilespmem:s4+$0x10]  }
0x1bb: {  	v10 =	vld [tilespmem:s4+$0x20]  }
0x1bc: {  	v11 =	vld [tilespmem:s4+$0x30]  }
0x1bd: {  	v12 =	vld [tilespmem:s4+$0x40]  }
0x1be: {  	v5 =	vadd.f32 v5, v8;
	v8 =	vld [tilespmem:s4+$0x50]  }
0x1bf: {  	v4 =	vadd.f32 v9, v4;
	v9 =	vld [tilespmem:s4+$0x60]  }
0x1c0: {  	[tilespmem:s26+$0x0] =	vst v5;
	v3 =	vadd.f32 v10, v3;
	v5 =	vld [tilespmem:s19+$0xE0];
	s19 =	smov.u32 s4  }
0x1c1: {  	v10 =	vld [tilespmem:s20+$0x80];
	[tilespmem:s26+$0x10] =	vst v4;
	v4 =	vadd.f32 v11, v6  }
0x1c2: {  	v6 =	vld [tilespmem:s20+$0x90];
	[tilespmem:s26+$0x20] =	vst v3;
	v3 =	vadd.f32 v12, v7  }
0x1c3: {  	v7 =	vld [tilespmem:s20+$0xA0];
	[tilespmem:s26+$0x30] =	vst v4;
	v2 =	vadd.f32 v8, v2  }
0x1c4: {  	v8 =	vld [tilespmem:s20+$0xB0];
	[tilespmem:s26+$0x40] =	vst v3;
	v1 =	vadd.f32 v9, v1  }
0x1c5: {  	v9 =	vld [tilespmem:s20+$0xC0];
	[tilespmem:s26+$0x50] =	vst v2;
	v0 =	vadd.f32 v5, v0  }
0x1c6: {  	v11 =	vld [tilespmem:s20+$0xD0];
	[tilespmem:s26+$0x60] =	vst v1  }
0x1c7: {  	v12 =	vld [tilespmem:s20+$0xE0];
	[tilespmem:s17+$0xE0] =	vst v0;
	s17 =	smov.u32 s26  }
0x1c8: {  	v0 =	vld [tilespmem:s4+$0x80]  }
0x1c9: {  	v10 =	vld.idx.msk [tilespmem:v10+s6+$0x0], $0xffff  }
0x1ca: {  	v5 =	vld.idx.msk [tilespmem:v6+s6+$0x0], $0xffff  }
0x1cb: {  	v4 =	vld.idx.msk [tilespmem:v7+s6+$0x0], $0xffff  }
0x1cc: {  	v3 =	vld.idx.msk [tilespmem:v8+s6+$0x0], $0xffff  }
0x1cd: {  	v2 =	vld.idx.msk [tilespmem:v9+s6+$0x0], $0xffff  }
0x1ce: {  	v1 =	vld.idx.msk [tilespmem:v11+s6+$0x0], $0xffff  }
0x1cf: {  	v6 =	vadd.f32 v0, v10;
	v0 =	vld.idx.msk [tilespmem:v12+s6+$0x0], $0xffff  }
.Ltmp7:
0x1d0: {  	v10 =	vld [tilespmem:s4+$0x90];
	(pc) =	sbr.rel @p1 .LBB2_4-.Ltmp7, $4  }
0x1d1: {  	[tilespmem:s26+$0x80] =	vst v6;
	v9 =	vld [tilespmem:s4+$0xA0]  }
0x1d2: {  	v8 =	vld [tilespmem:s4+$0xB0]  }
0x1d3: {  	v7 =	vld [tilespmem:s4+$0xC0]  }
0x1d4: {  	s20 =	sadd.s32 $0x200, s20;
	v6 =	vld [tilespmem:s4+$0xD0]  }
.Ltmp8:
0x1d5: {  	_ = 	snop;
	(pc) =	sbr.rel .LBB2_5-.Ltmp8, $1  }
0x1d6: {  	_ =	sdelay $0x3  }
.LBB2_10:
0x1d7: {  	_ =	swait.ge [sflag:s24], $0x3800  }
.Ltmp9:
0x1d8: {  	[sflag:s24] =	ssyncset.done $0x0;
	(pc) =	sbr.rel @p0 .LBB2_12-.Ltmp9, $4  }
0x1d9: {  	[sflag:s24] =	ssyncadd.s32 $0xFFFFC800  }
0x1da: {  	_ =	swait.ge [sflag:s25], $0x3800  }
0x1db: {  	[sflag:s25] =	ssyncset.done $0x0  }
0x1dc: {  	[sflag:s25] =	ssyncadd.s32 $0xFFFFC800  }
0x1dd: {  	s0 =	simm.s32 $0x15400  }
0x1de: {  	[tilespmem:s0], [sflag:$0x6] =	stream.linear.gather [hbm4b:s13+s6], $0x200, $0x38;
	[tilespmem:$0x15800] =	vst v63  }
0x1df: {  	_ =	swait.ge [sflag:s28], $0x200  }
0x1e0: {  	[sflag:s28] =	ssyncset.done $0x0  }
0x1e1: {  	[sflag:s28] =	ssyncadd.s32 $0xFFFFFE00  }
0x1e2: {  	[tilespmem:s29], [sflag:$0x6] =	stream.linear.gather [hbm4b:s14+s6], $0x200, $0x38;
	[tilespmem:$0x15800] =	vst v63  }
0x1e3: {  	_ =	swait.ge [sflag:s28], $0x200  }
0x1e4: {  	[sflag:s28] =	ssyncset.done $0x0  }
0x1e5: {  	[sflag:s28] =	ssyncadd.s32 $0xFFFFFE00  }
0x1e6: {  	v0 =	vld [tilespmem:$0x15400];
	_ =	sdelay $0x5  }
0x1e7: {  	v1 =	vld [tilespmem:$0x15600]  }
0x1e8: {  	v2 =	vld [tilespmem:$0x15410]  }
0x1e9: {  	v0 =	vld.idx.msk [tilespmem:v0+s6+$0x0], $0xffff;
	_ =	sdelay $0x4  }
0x1ea: {  	v0 =	vadd.f32 v1, v0  }
0x1eb: {  	v35 =	vld [tilespmem:$0x15610]  }
0x1ec: {  	v36 =	vld [tilespmem:$0x15420];
	[tilespmem:$0x15600] =	vst v0  }
0x1ed: {  	v0 =	vld.idx.msk [tilespmem:v2+s6+$0x0], $0xffff;
	_ =	sdelay $0x4  }
0x1ee: {  	v0 =	vadd.f32 v35, v0  }
0x1ef: {  	v37 =	vld [tilespmem:$0x15620]  }
0x1f0: {  	v38 =	vld [tilespmem:$0x15430];
	[tilespmem:$0x15610] =	vst v0  }
0x1f1: {  	v0 =	vld.idx.msk [tilespmem:v36+s6+$0x0], $0xffff;
	_ =	sdelay $0x4  }
0x1f2: {  	v0 =	vadd.f32 v37, v0  }
0x1f3: {  	v39 =	vld [tilespmem:$0x15630]  }
0x1f4: {  	v40 =	vld [tilespmem:$0x15480];
	[tilespmem:$0x15620] =	vst v0  }
0x1f5: {  	v0 =	vld.idx.msk [tilespmem:v38+s6+$0x0], $0xffff;
	_ =	sdelay $0x4  }
0x1f6: {  	v0 =	vadd.f32 v39, v0  }
0x1f7: {  	v41 =	vld [tilespmem:$0x15680]  }
0x1f8: {  	v42 =	vld [tilespmem:$0x15490];
	[tilespmem:$0x15630] =	vst v0  }
0x1f9: {  	v0 =	vld.idx.msk [tilespmem:v40+s6+$0x0], $0xffff;
	_ =	sdelay $0x4  }
0x1fa: {  	v0 =	vadd.f32 v41, v0  }
0x1fb: {  	v43 =	vld [tilespmem:$0x15690]  }
0x1fc: {  	v44 =	vld [tilespmem:$0x154A0];
	[tilespmem:$0x15680] =	vst v0  }
0x1fd: {  	v0 =	vld.idx.msk [tilespmem:v42+s6+$0x0], $0xffff;
	_ =	sdelay $0x4  }
0x1fe: {  	v0 =	vadd.f32 v43, v0  }
0x1ff: {  	v45 =	vld [tilespmem:$0x156A0]  }
0x200: {  	v46 =	vld [tilespmem:$0x154B0];
	[tilespmem:$0x15690] =	vst v0  }
0x201: {  	v0 =	vld.idx.msk [tilespmem:v44+s6+$0x0], $0xffff;
	_ =	sdelay $0x4  }
0x202: {  	v0 =	vadd.f32 v45, v0  }
0x203: {  	v47 =	vld [tilespmem:$0x156B0]  }
0x204: {  	v48 =	vld [tilespmem:$0x15500];
	[tilespmem:$0x156A0] =	vst v0  }
0x205: {  	v0 =	vld.idx.msk [tilespmem:v46+s6+$0x0], $0xffff;
	_ =	sdelay $0x4  }
0x206: {  	v0 =	vadd.f32 v47, v0  }
0x207: {  	v49 =	vld [tilespmem:$0x15700]  }
0x208: {  	v50 =	vld [tilespmem:$0x15510];
	[tilespmem:$0x156B0] =	vst v0  }
0x209: {  	v0 =	vld.idx.msk [tilespmem:v48+s6+$0x0], $0xffff;
	_ =	sdelay $0x4  }
0x20a: {  	v0 =	vadd.f32 v49, v0  }
0x20b: {  	v51 =	vld [tilespmem:$0x15710]  }
0x20c: {  	v52 =	vld [tilespmem:$0x15520];
	[tilespmem:$0x15700] =	vst v0  }
0x20d: {  	v0 =	vld.idx.msk [tilespmem:v50+s6+$0x0], $0xffff;
	_ =	sdelay $0x4  }
0x20e: {  	v0 =	vadd.f32 v51, v0  }
0x20f: {  	v53 =	vld [tilespmem:$0x15720]  }
0x210: {  	v54 =	vld [tilespmem:$0x15530];
	[tilespmem:$0x15710] =	vst v0  }
0x211: {  	v0 =	vld.idx.msk [tilespmem:v52+s6+$0x0], $0xffff;
	_ =	sdelay $0x4  }
0x212: {  	v0 =	vadd.f32 v53, v0  }
0x213: {  	v55 =	vld [tilespmem:$0x15730]  }
0x214: {  	v56 =	vld [tilespmem:$0x15580];
	[tilespmem:$0x15720] =	vst v0  }
0x215: {  	v0 =	vld.idx.msk [tilespmem:v54+s6+$0x0], $0xffff;
	_ =	sdelay $0x4  }
0x216: {  	v0 =	vadd.f32 v55, v0  }
0x217: {  	v57 =	vld [tilespmem:$0x15780]  }
0x218: {  	v58 =	vld [tilespmem:$0x15590];
	[tilespmem:$0x15730] =	vst v0  }
0x219: {  	v0 =	vld.idx.msk [tilespmem:v56+s6+$0x0], $0xffff;
	_ =	sdelay $0x4  }
0x21a: {  	v0 =	vadd.f32 v57, v0  }
0x21b: {  	v59 =	vld [tilespmem:$0x15790]  }
0x21c: {  	v60 =	vld [tilespmem:$0x155A0];
	[tilespmem:$0x15780] =	vst v0  }
0x21d: {  	v0 =	vld.idx.msk [tilespmem:v58+s6+$0x0], $0xffff;
	_ =	sdelay $0x4  }
0x21e: {  	v0 =	vadd.f32 v59, v0  }
0x21f: {  	v61 =	vld [tilespmem:$0x157A0]  }
0x220: {  	v62 =	vld [tilespmem:$0x155B0];
	[tilespmem:$0x15790] =	vst v0  }
0x221: {  	v0 =	vld.idx.msk [tilespmem:v60+s6+$0x0], $0xffff;
	_ =	sdelay $0x4  }
0x222: {  	v0 =	vadd.f32 v61, v0;
	_ =	sdelay $0x1  }
0x223: {  	v63 =	vld [tilespmem:$0x157B0];
	[tilespmem:$0x157A0] =	vst v0  }
0x224: {  	v0 =	vld.idx.msk [tilespmem:v62+s6+$0x0], $0xffff;
	_ =	sdelay $0x4  }
0x225: {  	v0 =	vadd.f32 v63, v0;
	_ =	sdelay $0x1  }
.Ltmp10:
0x226: {  	[tilespmem:$0x157B0] =	vst v0;
	(pc) =	sbr.rel .LBB2_12-.Ltmp10, $4  }
0x227: {  	[hbm4b:s15+s6] =	stream.linear.scatter [tilespmem:s29], [sflag:$0x6], $0x200, $0x38;
	[tilespmem:$0x15800] =	vst v63  }
0x228: {  	_ =	swait.ge [sflag:s28], $0x200  }
0x229: {  	[sflag:s28] =	ssyncset.done $0x0  }
0x22a: {  	[sflag:s28] =	ssyncadd.s32 $0xFFFFFE00  }
.LBB2_13:
0x22b: {  	_ =	sfence.sel $0x180000  }
0x22c: {  	[bflag:$0x0] =	sbarrier.arrive $0xFFFF  }
0x22d: {  	_ =	strace $0x90000047  }
0x22e: {  	s0 =	stileid.u32;
	[bflag:$0x2] =	sbarrier.arrive $0xFFFF  }
0x22f: {  	p0 =	sne.s32 s0, $0x0;
	s0 =	rddreg [dreg:$0x4]  }
0x230: {  	s0 =	sadd.s32 @!p0 $0x100000, s0  }
0x231: {  	[sflag:s0] =	ssyncadd.tile.s32 @!p0 $0x1;
	_ =	shalt  }
.Lfunc_end2:
_tile_overlayer_lowered:
.L_overlay_start_2:
0x232: {  	(tag) =	ssettag $0x2  }
0x233: {  	s0 =	rddreg [dreg:$0x0];
	s2 =	stileid.u32  }
0x234: {  	s1 =	rddreg [dreg:$0x1];
	p0 =	sne.s32 s2, $0x0  }
0x235: {  	s3 =	rddreg [dreg:$0x2];
	[bflag:$0x3] =	sbarrier.arrive $0xFFFF;
	s2 =	simm.s32 @!p0 $0x1C06  }
0x236: {  	[timem:s3], [sflag:s2] =	dma.local @!p0 [hbm:s0], s1  }
0x237: {  	s0 =	simm.s32 @!p0 $0x6  }
0x238: {  	_ =	swait.ge @!p0 [sflag:s0], s1  }
0x239: {  	s1 =	ssub.s32 @!p0 $0x0, s1;
	[sflag:s0] =	ssyncset.done @!p0 $0x0  }
0x23a: {  	[sflag:s0] =	ssyncadd.s32 @!p0 s1  }
0x23b: {  	[bflag:$0x3] =	sbarrier.arrive $0xFFFF  }
0x23c: {  	_ =	shalt  }

</sc_bundles>
